<compile_context>
chip_gen: v7x
topology: tpu7x:2x2x1
jax: 0.10.2.dev20260603
libtpu: 0.0.44.dev20260713+nightly
codegen_flags: <defaults>
</compile_context>

<pallas_src>
import functools

import jax
import jax.numpy as jnp
from jax import lax
from jax.experimental import pallas as pl
from jax.experimental.pallas import tpu as pltpu
from jax.experimental.pallas import tpu_sc as plsc


def _sc_gather(idx3, table):
    NW, n_ch, CH = idx3.shape
    V, D = table.shape
    n_per_w = n_ch * CH
    N = NW * n_per_w
    mesh = plsc.VectorSubcoreMesh(core_axis_name="c", subcore_axis_name="s")
    info = plsc.get_sparse_core_info()

    @functools.partial(
        pl.kernel,
        mesh=mesh,
        out_type=jax.ShapeDtypeStruct((N, D), jnp.float32),
        scratch_types=[
            pltpu.VMEM((n_ch, CH), jnp.int32),
            pltpu.VMEM((n_per_w, D), jnp.float32),
            pltpu.SemaphoreType.DMA,
        ],
        compiler_params=pltpu.CompilerParams(use_tc_tiling_on_sc=False),
    )
    def gk(idx_hbm, tab_hbm, out_hbm, idx_v, rows_v, sem):
        wid = lax.axis_index("s") * info.num_cores + lax.axis_index("c")
        pltpu.sync_copy(idx_hbm.at[wid], idx_v)
        copies = []
        for k in range(n_ch):
            copies.append(
                pltpu.async_copy(
                    tab_hbm.at[idx_v.at[k]],
                    rows_v.at[pl.ds(k * CH, CH)],
                    sem,
                )
            )
        for c in copies:
            c.wait()
        pltpu.sync_copy(rows_v, out_hbm.at[pl.ds(wid * n_per_w, n_per_w)])

    return gk(idx3, table)


def _tc_body(bxt_ref, e_ref, w_ref, out_ref):
    bxt = bxt_ref[...]
    w = w_ref[...]
    L, Bb, H = bxt.shape
    D = w.shape[0]
    e2 = e_ref[:, : L * D]
    e3 = e2.reshape(Bb, L, D)
    u3 = lax.dot_general(e3, w, (((2,), (0,)), ((), ())))
    f = lax.dot_general(e3, u3, (((2,), (2,)), ((0,), (0,))))
    jj = lax.broadcasted_iota(jnp.int32, (L, L), 0).astype(jnp.float32)
    ii = lax.broadcasted_iota(jnp.int32, (L, L), 1).astype(jnp.float32)
    s = jnp.where(ii < jj, (ii + 1.0) / (jj + 1.0), 0.0)
    m = f * s[None, :, :]
    agg = lax.dot_general(m, bxt, (((2,), (0,)), ((0,), (1,))))
    for j in range(L):
        out_ref[j] = bxt[j] + agg[:, j, :]


def _tc_compute(bxt, e2p, w, block_b, l_pad):
    L, B, H = bxt.shape
    D = w.shape[0]
    return pl.pallas_call(
        _tc_body,
        grid=(B // block_b,),
        in_specs=[
            pl.BlockSpec((L, block_b, H), lambda i: (0, i, 0)),
            pl.BlockSpec((block_b, l_pad * D), lambda i: (i, 0)),
            pl.BlockSpec((D, D), lambda i: (0, 0)),
        ],
        out_specs=pl.BlockSpec((L, block_b, H), lambda i: (0, i, 0)),
        out_shape=jax.ShapeDtypeStruct((L, B, H), jnp.float32),
        compiler_params=pltpu.CompilerParams(
            dimension_semantics=("parallel",)
        ),
    )(bxt, e2p, w)


def kernel(bert_x, x, ae, w):
    B, L, H = bert_x.shape
    V, D = ae.shape
    NW = 32
    idx3 = x.reshape(NW, (B * L) // NW // 128, 128)
    e_flat = _sc_gather(idx3, ae)
    e2 = e_flat.reshape(B, L * D)
    bxt = jnp.transpose(bert_x, (1, 0, 2))
    out_t = _tc_compute(bxt, e2, w, block_b=512, l_pad=L)
    return jnp.transpose(out_t, (1, 0, 2))

# --- scband reference (transcript-rebuilt; emitter-appended) ---
"""Pipeline reference for scband-causal-layer-72980084294379 (READ-ONLY COPY).

The authoritative reference and input builder live on the scoring server;
editing this copy changes nothing except your own understanding.
"""

import jax, jax.numpy as jnp
import numpy as np

B, L, H = 4096, 20, 128
V, D = 1000, 16

def setup_inputs(seed: int = 0) -> dict:
    key = jax.random.key(seed)
    k1, k2, k3, k4 = jax.random.split(key, 4)
    bert_x = jax.random.normal(k1, (B, L, H), dtype=jnp.float32)
    x = jax.random.randint(k2, (B, L), 0, V, dtype=jnp.int32)
    ae = jax.random.normal(k3, (V, D), dtype=jnp.float32) * 0.1
    w = jax.random.normal(k4, (D, D), dtype=jnp.float32) * 0.1
    return {"bert_x": bert_x, "x": x, "ae": ae, "w": w}

def reference(bert_x, x, ae, w):
    # Faithful translation of CausalLayer.forward:
    # res = bert_x.clone(); for j: for i<j:
    #   fac = ae[x[:,i]] @ w @ ae[x[:,j]]  (bilinear form, per row)
    #   res[:, j] += bert_x[:, i] * ((i+1)/(j+1) * fac)[:, None]
    Bc, Lc, Hc = bert_x.shape
    res = bert_x
    for j in range(Lc):
        if j == 0:
            continue
        ae_t = jnp.take(ae, x[:, j], axis=0)  # [B, D] gather
        acc = jnp.zeros((Bc, Hc), dtype=bert_x.dtype)
        for i in range(j):
            ae_s = jnp.take(ae, x[:, i], axis=0)  # [B, D] gather
            # (ae_s.unsqueeze(1) @ w @ ae_t.unsqueeze(2)).squeeze() -> [B]
            fac = jnp.einsum('bd,de,be->b', ae_s, w, ae_t)
            scale = (i + 1) / (j + 1)
            acc = acc + bert_x[:, i] * (scale * fac)[:, None]
        res = res.at[:, j].add(acc)
    return res

if __name__ == "__main__":
    import jax
    _d = setup_inputs()
    print(jax.jit(kernel)(*tuple(_d.values())))

</pallas_src>

<mosaic_0001>
#map = affine_map<(d0, d1) -> (0, 0, 0)>
#map1 = affine_map<(d0, d1) -> (0, 0)>
module attributes {stable_mosaic.version = 14 : i64} {
  func.func @gk(%arg0: i32, %arg1: i32, %arg2: memref<32x20x128xi32, #tpu.memory_space<hbm>>, %arg3: memref<1000x16xf32, #tpu.memory_space<hbm>>, %arg4: memref<81920x16xf32, #tpu.memory_space<hbm>>, %arg5: memref<20x128xi32, #tpu.memory_space<vmem>>, %arg6: memref<2560x16xf32, #tpu.memory_space<vmem>>, %arg7: memref<!tpu.dma_semaphore, #tpu.memory_space<semaphore_mem>>) attributes {dimension_semantics = [#tpu.dimension_semantics<core_parallel>, #tpu.dimension_semantics<subcore_parallel>], iteration_bounds = array<i64: 2, 16>, scalar_prefetch = 0 : i64, scratch_operands = 3 : i64, tpu.core_type = #tpu.core_type<sc_vector_subcore>, window_params = [{transform_indices = #map}, {transform_indices = #map1}, {transform_indices = #map1}]} {
    %mul3A = arith.constant 2 : i32
    %mul3A_0 = arith.muli %arg1, %mul3A : i32
    %add3A = arith.addi %mul3A_0, %arg0 : i32
    "tpu.region"() ({
      %run_scoped3A = tpu.sem_alloc : memref<!tpu.dma_semaphore, #tpu.memory_space<semaphore_mem>>
      %dma_start3A_401 = arith.constant 0 : i32
      %dma_start3A_402 = arith.constant 0 : i32
      %dma_start3A_403 = tpu.memref_slice %arg2[%add3A, %dma_start3A_401, %dma_start3A_402] : memref<32x20x128xi32, #tpu.memory_space<hbm>> -> memref<1x20x128xi32, #tpu.memory_space<hbm>>
      %dma_start3A_404 = tpu.memref_squeeze %dma_start3A_403 : memref<1x20x128xi32, #tpu.memory_space<hbm>> -> memref<20x128xi32, #tpu.memory_space<hbm>>
      %dma_start3A_405 = arith.constant 0 : i32
      %dma_start3A_406 = arith.constant 0 : i32
      %dma_start3A_407 = tpu.memref_slice %arg2[%add3A, %dma_start3A_405, %dma_start3A_406] : memref<32x20x128xi32, #tpu.memory_space<hbm>> -> memref<1x20x128xi32, #tpu.memory_space<hbm>>
      %dma_start3A_408 = tpu.memref_squeeze %dma_start3A_407 : memref<1x20x128xi32, #tpu.memory_space<hbm>> -> memref<20x128xi32, #tpu.memory_space<hbm>>
      tpu.enqueue_dma source(%dma_start3A_408 : memref<20x128xi32, #tpu.memory_space<hbm>>) target(%arg5 : memref<20x128xi32, #tpu.memory_space<vmem>>) target_semaphore(%run_scoped3A : memref<!tpu.dma_semaphore, #tpu.memory_space<semaphore_mem>>)
      %dma_wait3A_409 = arith.constant 0 : i32
      %dma_wait3A_410 = arith.constant 0 : i32
      %dma_wait3A_411 = tpu.memref_slice %arg2[%add3A, %dma_wait3A_409, %dma_wait3A_410] : memref<32x20x128xi32, #tpu.memory_space<hbm>> -> memref<1x20x128xi32, #tpu.memory_space<hbm>>
      %dma_wait3A_412 = tpu.memref_squeeze %dma_wait3A_411 : memref<1x20x128xi32, #tpu.memory_space<hbm>> -> memref<20x128xi32, #tpu.memory_space<hbm>>
      %dma_wait3A_413 = arith.constant 0 : i32
      %dma_wait3A_414 = arith.constant 0 : i32
      %dma_wait3A_415 = tpu.memref_slice %arg2[%add3A, %dma_wait3A_413, %dma_wait3A_414] : memref<32x20x128xi32, #tpu.memory_space<hbm>> -> memref<1x20x128xi32, #tpu.memory_space<hbm>>
      %dma_wait3A_416 = tpu.memref_squeeze %dma_wait3A_415 : memref<1x20x128xi32, #tpu.memory_space<hbm>> -> memref<20x128xi32, #tpu.memory_space<hbm>>
      tpu.wait_dma2 semaphore(%run_scoped3A : memref<!tpu.dma_semaphore, #tpu.memory_space<semaphore_mem>>) src(%dma_wait3A_416 : memref<20x128xi32, #tpu.memory_space<hbm>>) dst(%arg5 : memref<20x128xi32, #tpu.memory_space<vmem>>)
      tpu.yield
    }) : () -> ()
    %dma_start3A = arith.constant 0 : i32
    %dma_start3A_1 = arith.constant 0 : i32
    %dma_start3A_2 = arith.constant 0 : i32
    %dma_start3A_3 = tpu.memref_slice %arg6[%dma_start3A_1, %dma_start3A_2] : memref<2560x16xf32, #tpu.memory_space<vmem>> -> memref<128x16xf32, #tpu.memory_space<vmem>>
    %dma_start3A_4 = arith.constant 0 : i32
    %dma_start3A_5 = tpu.memref_slice %arg5[%dma_start3A, %dma_start3A_4] : memref<20x128xi32, #tpu.memory_space<vmem>> -> memref<1x128xi32, #tpu.memory_space<vmem>>
    %dma_start3A_6 = tpu.memref_squeeze %dma_start3A_5 : memref<1x128xi32, #tpu.memory_space<vmem>> -> memref<128xi32, #tpu.memory_space<vmem>>
    %dma_start3A_7 = arith.constant 0 : i32
    %dma_start3A_8 = arith.constant 0 : i32
    %dma_start3A_9 = tpu.memref_slice %arg3[%dma_start3A_7, %dma_start3A_8] : memref<1000x16xf32, #tpu.memory_space<hbm>> -> memref<1000x16xf32, #tpu.memory_space<hbm>>
    tpu.enqueue_indirect_dma source(%dma_start3A_9 : memref<1000x16xf32, #tpu.memory_space<hbm>>) target(%dma_start3A_3 : memref<128x16xf32, #tpu.memory_space<vmem>>) offsets(%dma_start3A_6 : memref<128xi32, #tpu.memory_space<vmem>>) semaphore(%arg7 : memref<!tpu.dma_semaphore, #tpu.memory_space<semaphore_mem>>)
    %dma_start3A_10 = arith.constant 1 : i32
    %dma_start3A_11 = arith.constant 128 : i32
    %dma_start3A_12 = arith.constant 0 : i32
    %dma_start3A_13 = tpu.memref_slice %arg6[%dma_start3A_11, %dma_start3A_12] : memref<2560x16xf32, #tpu.memory_space<vmem>> -> memref<128x16xf32, #tpu.memory_space<vmem>>
    %dma_start3A_14 = arith.constant 0 : i32
    %dma_start3A_15 = tpu.memref_slice %arg5[%dma_start3A_10, %dma_start3A_14] : memref<20x128xi32, #tpu.memory_space<vmem>> -> memref<1x128xi32, #tpu.memory_space<vmem>>
    %dma_start3A_16 = tpu.memref_squeeze %dma_start3A_15 : memref<1x128xi32, #tpu.memory_space<vmem>> -> memref<128xi32, #tpu.memory_space<vmem>>
    %dma_start3A_17 = arith.constant 0 : i32
    %dma_start3A_18 = arith.constant 0 : i32
    %dma_start3A_19 = tpu.memref_slice %arg3[%dma_start3A_17, %dma_start3A_18] : memref<1000x16xf32, #tpu.memory_space<hbm>> -> memref<1000x16xf32, #tpu.memory_space<hbm>>
    tpu.enqueue_indirect_dma source(%dma_start3A_19 : memref<1000x16xf32, #tpu.memory_space<hbm>>) target(%dma_start3A_13 : memref<128x16xf32, #tpu.memory_space<vmem>>) offsets(%dma_start3A_16 : memref<128xi32, #tpu.memory_space<vmem>>) semaphore(%arg7 : memref<!tpu.dma_semaphore, #tpu.memory_space<semaphore_mem>>)
    %dma_start3A_20 = arith.constant 2 : i32
    %dma_start3A_21 = arith.constant 256 : i32
    %dma_start3A_22 = arith.constant 0 : i32
    %dma_start3A_23 = tpu.memref_slice %arg6[%dma_start3A_21, %dma_start3A_22] : memref<2560x16xf32, #tpu.memory_space<vmem>> -> memref<128x16xf32, #tpu.memory_space<vmem>>
    %dma_start3A_24 = arith.constant 0 : i32
    %dma_start3A_25 = tpu.memref_slice %arg5[%dma_start3A_20, %dma_start3A_24] : memref<20x128xi32, #tpu.memory_space<vmem>> -> memref<1x128xi32, #tpu.memory_space<vmem>>
    %dma_start3A_26 = tpu.memref_squeeze %dma_start3A_25 : memref<1x128xi32, #tpu.memory_space<vmem>> -> memref<128xi32, #tpu.memory_space<vmem>>
    %dma_start3A_27 = arith.constant 0 : i32
    %dma_start3A_28 = arith.constant 0 : i32
    %dma_start3A_29 = tpu.memref_slice %arg3[%dma_start3A_27, %dma_start3A_28] : memref<1000x16xf32, #tpu.memory_space<hbm>> -> memref<1000x16xf32, #tpu.memory_space<hbm>>
    tpu.enqueue_indirect_dma source(%dma_start3A_29 : memref<1000x16xf32, #tpu.memory_space<hbm>>) target(%dma_start3A_23 : memref<128x16xf32, #tpu.memory_space<vmem>>) offsets(%dma_start3A_26 : memref<128xi32, #tpu.memory_space<vmem>>) semaphore(%arg7 : memref<!tpu.dma_semaphore, #tpu.memory_space<semaphore_mem>>)
    %dma_start3A_30 = arith.constant 3 : i32
    %dma_start3A_31 = arith.constant 384 : i32
    %dma_start3A_32 = arith.constant 0 : i32
    %dma_start3A_33 = tpu.memref_slice %arg6[%dma_start3A_31, %dma_start3A_32] : memref<2560x16xf32, #tpu.memory_space<vmem>> -> memref<128x16xf32, #tpu.memory_space<vmem>>
    %dma_start3A_34 = arith.constant 0 : i32
    %dma_start3A_35 = tpu.memref_slice %arg5[%dma_start3A_30, %dma_start3A_34] : memref<20x128xi32, #tpu.memory_space<vmem>> -> memref<1x128xi32, #tpu.memory_space<vmem>>
    %dma_start3A_36 = tpu.memref_squeeze %dma_start3A_35 : memref<1x128xi32, #tpu.memory_space<vmem>> -> memref<128xi32, #tpu.memory_space<vmem>>
    %dma_start3A_37 = arith.constant 0 : i32
    %dma_start3A_38 = arith.constant 0 : i32
    %dma_start3A_39 = tpu.memref_slice %arg3[%dma_start3A_37, %dma_start3A_38] : memref<1000x16xf32, #tpu.memory_space<hbm>> -> memref<1000x16xf32, #tpu.memory_space<hbm>>
    tpu.enqueue_indirect_dma source(%dma_start3A_39 : memref<1000x16xf32, #tpu.memory_space<hbm>>) target(%dma_start3A_33 : memref<128x16xf32, #tpu.memory_space<vmem>>) offsets(%dma_start3A_36 : memref<128xi32, #tpu.memory_space<vmem>>) semaphore(%arg7 : memref<!tpu.dma_semaphore, #tpu.memory_space<semaphore_mem>>)
    %dma_start3A_40 = arith.constant 4 : i32
    %dma_start3A_41 = arith.constant 512 : i32
    %dma_start3A_42 = arith.constant 0 : i32
    %dma_start3A_43 = tpu.memref_slice %arg6[%dma_start3A_41, %dma_start3A_42] : memref<2560x16xf32, #tpu.memory_space<vmem>> -> memref<128x16xf32, #tpu.memory_space<vmem>>
    %dma_start3A_44 = arith.constant 0 : i32
    %dma_start3A_45 = tpu.memref_slice %arg5[%dma_start3A_40, %dma_start3A_44] : memref<20x128xi32, #tpu.memory_space<vmem>> -> memref<1x128xi32, #tpu.memory_space<vmem>>
    %dma_start3A_46 = tpu.memref_squeeze %dma_start3A_45 : memref<1x128xi32, #tpu.memory_space<vmem>> -> memref<128xi32, #tpu.memory_space<vmem>>
    %dma_start3A_47 = arith.constant 0 : i32
    %dma_start3A_48 = arith.constant 0 : i32
    %dma_start3A_49 = tpu.memref_slice %arg3[%dma_start3A_47, %dma_start3A_48] : memref<1000x16xf32, #tpu.memory_space<hbm>> -> memref<1000x16xf32, #tpu.memory_space<hbm>>
    tpu.enqueue_indirect_dma source(%dma_start3A_49 : memref<1000x16xf32, #tpu.memory_space<hbm>>) target(%dma_start3A_43 : memref<128x16xf32, #tpu.memory_space<vmem>>) offsets(%dma_start3A_46 : memref<128xi32, #tpu.memory_space<vmem>>) semaphore(%arg7 : memref<!tpu.dma_semaphore, #tpu.memory_space<semaphore_mem>>)
    %dma_start3A_50 = arith.constant 5 : i32
    %dma_start3A_51 = arith.constant 640 : i32
    %dma_start3A_52 = arith.constant 0 : i32
    %dma_start3A_53 = tpu.memref_slice %arg6[%dma_start3A_51, %dma_start3A_52] : memref<2560x16xf32, #tpu.memory_space<vmem>> -> memref<128x16xf32, #tpu.memory_space<vmem>>
    %dma_start3A_54 = arith.constant 0 : i32
    %dma_start3A_55 = tpu.memref_slice %arg5[%dma_start3A_50, %dma_start3A_54] : memref<20x128xi32, #tpu.memory_space<vmem>> -> memref<1x128xi32, #tpu.memory_space<vmem>>
    %dma_start3A_56 = tpu.memref_squeeze %dma_start3A_55 : memref<1x128xi32, #tpu.memory_space<vmem>> -> memref<128xi32, #tpu.memory_space<vmem>>
    %dma_start3A_57 = arith.constant 0 : i32
    %dma_start3A_58 = arith.constant 0 : i32
    %dma_start3A_59 = tpu.memref_slice %arg3[%dma_start3A_57, %dma_start3A_58] : memref<1000x16xf32, #tpu.memory_space<hbm>> -> memref<1000x16xf32, #tpu.memory_space<hbm>>
    tpu.enqueue_indirect_dma source(%dma_start3A_59 : memref<1000x16xf32, #tpu.memory_space<hbm>>) target(%dma_start3A_53 : memref<128x16xf32, #tpu.memory_space<vmem>>) offsets(%dma_start3A_56 : memref<128xi32, #tpu.memory_space<vmem>>) semaphore(%arg7 : memref<!tpu.dma_semaphore, #tpu.memory_space<semaphore_mem>>)
    %dma_start3A_60 = arith.constant 6 : i32
    %dma_start3A_61 = arith.constant 768 : i32
    %dma_start3A_62 = arith.constant 0 : i32
    %dma_start3A_63 = tpu.memref_slice %arg6[%dma_start3A_61, %dma_start3A_62] : memref<2560x16xf32, #tpu.memory_space<vmem>> -> memref<128x16xf32, #tpu.memory_space<vmem>>
    %dma_start3A_64 = arith.constant 0 : i32
    %dma_start3A_65 = tpu.memref_slice %arg5[%dma_start3A_60, %dma_start3A_64] : memref<20x128xi32, #tpu.memory_space<vmem>> -> memref<1x128xi32, #tpu.memory_space<vmem>>
    %dma_start3A_66 = tpu.memref_squeeze %dma_start3A_65 : memref<1x128xi32, #tpu.memory_space<vmem>> -> memref<128xi32, #tpu.memory_space<vmem>>
    %dma_start3A_67 = arith.constant 0 : i32
    %dma_start3A_68 = arith.constant 0 : i32
    %dma_start3A_69 = tpu.memref_slice %arg3[%dma_start3A_67, %dma_start3A_68] : memref<1000x16xf32, #tpu.memory_space<hbm>> -> memref<1000x16xf32, #tpu.memory_space<hbm>>
    tpu.enqueue_indirect_dma source(%dma_start3A_69 : memref<1000x16xf32, #tpu.memory_space<hbm>>) target(%dma_start3A_63 : memref<128x16xf32, #tpu.memory_space<vmem>>) offsets(%dma_start3A_66 : memref<128xi32, #tpu.memory_space<vmem>>) semaphore(%arg7 : memref<!tpu.dma_semaphore, #tpu.memory_space<semaphore_mem>>)
    %dma_start3A_70 = arith.constant 7 : i32
    %dma_start3A_71 = arith.constant 896 : i32
    %dma_start3A_72 = arith.constant 0 : i32
    %dma_start3A_73 = tpu.memref_slice %arg6[%dma_start3A_71, %dma_start3A_72] : memref<2560x16xf32, #tpu.memory_space<vmem>> -> memref<128x16xf32, #tpu.memory_space<vmem>>
    %dma_start3A_74 = arith.constant 0 : i32
    %dma_start3A_75 = tpu.memref_slice %arg5[%dma_start3A_70, %dma_start3A_74] : memref<20x128xi32, #tpu.memory_space<vmem>> -> memref<1x128xi32, #tpu.memory_space<vmem>>
    %dma_start3A_76 = tpu.memref_squeeze %dma_start3A_75 : memref<1x128xi32, #tpu.memory_space<vmem>> -> memref<128xi32, #tpu.memory_space<vmem>>
    %dma_start3A_77 = arith.constant 0 : i32
    %dma_start3A_78 = arith.constant 0 : i32
    %dma_start3A_79 = tpu.memref_slice %arg3[%dma_start3A_77, %dma_start3A_78] : memref<1000x16xf32, #tpu.memory_space<hbm>> -> memref<1000x16xf32, #tpu.memory_space<hbm>>
    tpu.enqueue_indirect_dma source(%dma_start3A_79 : memref<1000x16xf32, #tpu.memory_space<hbm>>) target(%dma_start3A_73 : memref<128x16xf32, #tpu.memory_space<vmem>>) offsets(%dma_start3A_76 : memref<128xi32, #tpu.memory_space<vmem>>) semaphore(%arg7 : memref<!tpu.dma_semaphore, #tpu.memory_space<semaphore_mem>>)
    %dma_start3A_80 = arith.constant 8 : i32
    %dma_start3A_81 = arith.constant 1024 : i32
    %dma_start3A_82 = arith.constant 0 : i32
    %dma_start3A_83 = tpu.memref_slice %arg6[%dma_start3A_81, %dma_start3A_82] : memref<2560x16xf32, #tpu.memory_space<vmem>> -> memref<128x16xf32, #tpu.memory_space<vmem>>
    %dma_start3A_84 = arith.constant 0 : i32
    %dma_start3A_85 = tpu.memref_slice %arg5[%dma_start3A_80, %dma_start3A_84] : memref<20x128xi32, #tpu.memory_space<vmem>> -> memref<1x128xi32, #tpu.memory_space<vmem>>
    %dma_start3A_86 = tpu.memref_squeeze %dma_start3A_85 : memref<1x128xi32, #tpu.memory_space<vmem>> -> memref<128xi32, #tpu.memory_space<vmem>>
    %dma_start3A_87 = arith.constant 0 : i32
    %dma_start3A_88 = arith.constant 0 : i32
    %dma_start3A_89 = tpu.memref_slice %arg3[%dma_start3A_87, %dma_start3A_88] : memref<1000x16xf32, #tpu.memory_space<hbm>> -> memref<1000x16xf32, #tpu.memory_space<hbm>>
    tpu.enqueue_indirect_dma source(%dma_start3A_89 : memref<1000x16xf32, #tpu.memory_space<hbm>>) target(%dma_start3A_83 : memref<128x16xf32, #tpu.memory_space<vmem>>) offsets(%dma_start3A_86 : memref<128xi32, #tpu.memory_space<vmem>>) semaphore(%arg7 : memref<!tpu.dma_semaphore, #tpu.memory_space<semaphore_mem>>)
    %dma_start3A_90 = arith.constant 9 : i32
    %dma_start3A_91 = arith.constant 1152 : i32
    %dma_start3A_92 = arith.constant 0 : i32
    %dma_start3A_93 = tpu.memref_slice %arg6[%dma_start3A_91, %dma_start3A_92] : memref<2560x16xf32, #tpu.memory_space<vmem>> -> memref<128x16xf32, #tpu.memory_space<vmem>>
    %dma_start3A_94 = arith.constant 0 : i32
    %dma_start3A_95 = tpu.memref_slice %arg5[%dma_start3A_90, %dma_start3A_94] : memref<20x128xi32, #tpu.memory_space<vmem>> -> memref<1x128xi32, #tpu.memory_space<vmem>>
    %dma_start3A_96 = tpu.memref_squeeze %dma_start3A_95 : memref<1x128xi32, #tpu.memory_space<vmem>> -> memref<128xi32, #tpu.memory_space<vmem>>
    %dma_start3A_97 = arith.constant 0 : i32
    %dma_start3A_98 = arith.constant 0 : i32
    %dma_start3A_99 = tpu.memref_slice %arg3[%dma_start3A_97, %dma_start3A_98] : memref<1000x16xf32, #tpu.memory_space<hbm>> -> memref<1000x16xf32, #tpu.memory_space<hbm>>
    tpu.enqueue_indirect_dma source(%dma_start3A_99 : memref<1000x16xf32, #tpu.memory_space<hbm>>) target(%dma_start3A_93 : memref<128x16xf32, #tpu.memory_space<vmem>>) offsets(%dma_start3A_96 : memref<128xi32, #tpu.memory_space<vmem>>) semaphore(%arg7 : memref<!tpu.dma_semaphore, #tpu.memory_space<semaphore_mem>>)
    %dma_start3A_100 = arith.constant 10 : i32
    %dma_start3A_101 = arith.constant 1280 : i32
    %dma_start3A_102 = arith.constant 0 : i32
    %dma_start3A_103 = tpu.memref_slice %arg6[%dma_start3A_101, %dma_start3A_102] : memref<2560x16xf32, #tpu.memory_space<vmem>> -> memref<128x16xf32, #tpu.memory_space<vmem>>
    %dma_start3A_104 = arith.constant 0 : i32
    %dma_start3A_105 = tpu.memref_slice %arg5[%dma_start3A_100, %dma_start3A_104] : memref<20x128xi32, #tpu.memory_space<vmem>> -> memref<1x128xi32, #tpu.memory_space<vmem>>
    %dma_start3A_106 = tpu.memref_squeeze %dma_start3A_105 : memref<1x128xi32, #tpu.memory_space<vmem>> -> memref<128xi32, #tpu.memory_space<vmem>>
    %dma_start3A_107 = arith.constant 0 : i32
    %dma_start3A_108 = arith.constant 0 : i32
    %dma_start3A_109 = tpu.memref_slice %arg3[%dma_start3A_107, %dma_start3A_108] : memref<1000x16xf32, #tpu.memory_space<hbm>> -> memref<1000x16xf32, #tpu.memory_space<hbm>>
    tpu.enqueue_indirect_dma source(%dma_start3A_109 : memref<1000x16xf32, #tpu.memory_space<hbm>>) target(%dma_start3A_103 : memref<128x16xf32, #tpu.memory_space<vmem>>) offsets(%dma_start3A_106 : memref<128xi32, #tpu.memory_space<vmem>>) semaphore(%arg7 : memref<!tpu.dma_semaphore, #tpu.memory_space<semaphore_mem>>)
    %dma_start3A_110 = arith.constant 11 : i32
    %dma_start3A_111 = arith.constant 1408 : i32
    %dma_start3A_112 = arith.constant 0 : i32
    %dma_start3A_113 = tpu.memref_slice %arg6[%dma_start3A_111, %dma_start3A_112] : memref<2560x16xf32, #tpu.memory_space<vmem>> -> memref<128x16xf32, #tpu.memory_space<vmem>>
    %dma_start3A_114 = arith.constant 0 : i32
    %dma_start3A_115 = tpu.memref_slice %arg5[%dma_start3A_110, %dma_start3A_114] : memref<20x128xi32, #tpu.memory_space<vmem>> -> memref<1x128xi32, #tpu.memory_space<vmem>>
    %dma_start3A_116 = tpu.memref_squeeze %dma_start3A_115 : memref<1x128xi32, #tpu.memory_space<vmem>> -> memref<128xi32, #tpu.memory_space<vmem>>
    %dma_start3A_117 = arith.constant 0 : i32
    %dma_start3A_118 = arith.constant 0 : i32
    %dma_start3A_119 = tpu.memref_slice %arg3[%dma_start3A_117, %dma_start3A_118] : memref<1000x16xf32, #tpu.memory_space<hbm>> -> memref<1000x16xf32, #tpu.memory_space<hbm>>
    tpu.enqueue_indirect_dma source(%dma_start3A_119 : memref<1000x16xf32, #tpu.memory_space<hbm>>) target(%dma_start3A_113 : memref<128x16xf32, #tpu.memory_space<vmem>>) offsets(%dma_start3A_116 : memref<128xi32, #tpu.memory_space<vmem>>) semaphore(%arg7 : memref<!tpu.dma_semaphore, #tpu.memory_space<semaphore_mem>>)
    %dma_start3A_120 = arith.constant 12 : i32
    %dma_start3A_121 = arith.constant 1536 : i32
    %dma_start3A_122 = arith.constant 0 : i32
    %dma_start3A_123 = tpu.memref_slice %arg6[%dma_start3A_121, %dma_start3A_122] : memref<2560x16xf32, #tpu.memory_space<vmem>> -> memref<128x16xf32, #tpu.memory_space<vmem>>
    %dma_start3A_124 = arith.constant 0 : i32
    %dma_start3A_125 = tpu.memref_slice %arg5[%dma_start3A_120, %dma_start3A_124] : memref<20x128xi32, #tpu.memory_space<vmem>> -> memref<1x128xi32, #tpu.memory_space<vmem>>
    %dma_start3A_126 = tpu.memref_squeeze %dma_start3A_125 : memref<1x128xi32, #tpu.memory_space<vmem>> -> memref<128xi32, #tpu.memory_space<vmem>>
    %dma_start3A_127 = arith.constant 0 : i32
    %dma_start3A_128 = arith.constant 0 : i32
    %dma_start3A_129 = tpu.memref_slice %arg3[%dma_start3A_127, %dma_start3A_128] : memref<1000x16xf32, #tpu.memory_space<hbm>> -> memref<1000x16xf32, #tpu.memory_space<hbm>>
    tpu.enqueue_indirect_dma source(%dma_start3A_129 : memref<1000x16xf32, #tpu.memory_space<hbm>>) target(%dma_start3A_123 : memref<128x16xf32, #tpu.memory_space<vmem>>) offsets(%dma_start3A_126 : memref<128xi32, #tpu.memory_space<vmem>>) semaphore(%arg7 : memref<!tpu.dma_semaphore, #tpu.memory_space<semaphore_mem>>)
    %dma_start3A_130 = arith.constant 13 : i32
    %dma_start3A_131 = arith.constant 1664 : i32
    %dma_start3A_132 = arith.constant 0 : i32
    %dma_start3A_133 = tpu.memref_slice %arg6[%dma_start3A_131, %dma_start3A_132] : memref<2560x16xf32, #tpu.memory_space<vmem>> -> memref<128x16xf32, #tpu.memory_space<vmem>>
    %dma_start3A_134 = arith.constant 0 : i32
    %dma_start3A_135 = tpu.memref_slice %arg5[%dma_start3A_130, %dma_start3A_134] : memref<20x128xi32, #tpu.memory_space<vmem>> -> memref<1x128xi32, #tpu.memory_space<vmem>>
    %dma_start3A_136 = tpu.memref_squeeze %dma_start3A_135 : memref<1x128xi32, #tpu.memory_space<vmem>> -> memref<128xi32, #tpu.memory_space<vmem>>
    %dma_start3A_137 = arith.constant 0 : i32
    %dma_start3A_138 = arith.constant 0 : i32
    %dma_start3A_139 = tpu.memref_slice %arg3[%dma_start3A_137, %dma_start3A_138] : memref<1000x16xf32, #tpu.memory_space<hbm>> -> memref<1000x16xf32, #tpu.memory_space<hbm>>
    tpu.enqueue_indirect_dma source(%dma_start3A_139 : memref<1000x16xf32, #tpu.memory_space<hbm>>) target(%dma_start3A_133 : memref<128x16xf32, #tpu.memory_space<vmem>>) offsets(%dma_start3A_136 : memref<128xi32, #tpu.memory_space<vmem>>) semaphore(%arg7 : memref<!tpu.dma_semaphore, #tpu.memory_space<semaphore_mem>>)
    %dma_start3A_140 = arith.constant 14 : i32
    %dma_start3A_141 = arith.constant 1792 : i32
    %dma_start3A_142 = arith.constant 0 : i32
    %dma_start3A_143 = tpu.memref_slice %arg6[%dma_start3A_141, %dma_start3A_142] : memref<2560x16xf32, #tpu.memory_space<vmem>> -> memref<128x16xf32, #tpu.memory_space<vmem>>
    %dma_start3A_144 = arith.constant 0 : i32
    %dma_start3A_145 = tpu.memref_slice %arg5[%dma_start3A_140, %dma_start3A_144] : memref<20x128xi32, #tpu.memory_space<vmem>> -> memref<1x128xi32, #tpu.memory_space<vmem>>
    %dma_start3A_146 = tpu.memref_squeeze %dma_start3A_145 : memref<1x128xi32, #tpu.memory_space<vmem>> -> memref<128xi32, #tpu.memory_space<vmem>>
    %dma_start3A_147 = arith.constant 0 : i32
    %dma_start3A_148 = arith.constant 0 : i32
    %dma_start3A_149 = tpu.memref_slice %arg3[%dma_start3A_147, %dma_start3A_148] : memref<1000x16xf32, #tpu.memory_space<hbm>> -> memref<1000x16xf32, #tpu.memory_space<hbm>>
    tpu.enqueue_indirect_dma source(%dma_start3A_149 : memref<1000x16xf32, #tpu.memory_space<hbm>>) target(%dma_start3A_143 : memref<128x16xf32, #tpu.memory_space<vmem>>) offsets(%dma_start3A_146 : memref<128xi32, #tpu.memory_space<vmem>>) semaphore(%arg7 : memref<!tpu.dma_semaphore, #tpu.memory_space<semaphore_mem>>)
    %dma_start3A_150 = arith.constant 15 : i32
    %dma_start3A_151 = arith.constant 1920 : i32
    %dma_start3A_152 = arith.constant 0 : i32
    %dma_start3A_153 = tpu.memref_slice %arg6[%dma_start3A_151, %dma_start3A_152] : memref<2560x16xf32, #tpu.memory_space<vmem>> -> memref<128x16xf32, #tpu.memory_space<vmem>>
    %dma_start3A_154 = arith.constant 0 : i32
    %dma_start3A_155 = tpu.memref_slice %arg5[%dma_start3A_150, %dma_start3A_154] : memref<20x128xi32, #tpu.memory_space<vmem>> -> memref<1x128xi32, #tpu.memory_space<vmem>>
    %dma_start3A_156 = tpu.memref_squeeze %dma_start3A_155 : memref<1x128xi32, #tpu.memory_space<vmem>> -> memref<128xi32, #tpu.memory_space<vmem>>
    %dma_start3A_157 = arith.constant 0 : i32
    %dma_start3A_158 = arith.constant 0 : i32
    %dma_start3A_159 = tpu.memref_slice %arg3[%dma_start3A_157, %dma_start3A_158] : memref<1000x16xf32, #tpu.memory_space<hbm>> -> memref<1000x16xf32, #tpu.memory_space<hbm>>
    tpu.enqueue_indirect_dma source(%dma_start3A_159 : memref<1000x16xf32, #tpu.memory_space<hbm>>) target(%dma_start3A_153 : memref<128x16xf32, #tpu.memory_space<vmem>>) offsets(%dma_start3A_156 : memref<128xi32, #tpu.memory_space<vmem>>) semaphore(%arg7 : memref<!tpu.dma_semaphore, #tpu.memory_space<semaphore_mem>>)
    %dma_start3A_160 = arith.constant 16 : i32
    %dma_start3A_161 = arith.constant 2048 : i32
    %dma_start3A_162 = arith.constant 0 : i32
    %dma_start3A_163 = tpu.memref_slice %arg6[%dma_start3A_161, %dma_start3A_162] : memref<2560x16xf32, #tpu.memory_space<vmem>> -> memref<128x16xf32, #tpu.memory_space<vmem>>
    %dma_start3A_164 = arith.constant 0 : i32
    %dma_start3A_165 = tpu.memref_slice %arg5[%dma_start3A_160, %dma_start3A_164] : memref<20x128xi32, #tpu.memory_space<vmem>> -> memref<1x128xi32, #tpu.memory_space<vmem>>
    %dma_start3A_166 = tpu.memref_squeeze %dma_start3A_165 : memref<1x128xi32, #tpu.memory_space<vmem>> -> memref<128xi32, #tpu.memory_space<vmem>>
    %dma_start3A_167 = arith.constant 0 : i32
    %dma_start3A_168 = arith.constant 0 : i32
    %dma_start3A_169 = tpu.memref_slice %arg3[%dma_start3A_167, %dma_start3A_168] : memref<1000x16xf32, #tpu.memory_space<hbm>> -> memref<1000x16xf32, #tpu.memory_space<hbm>>
    tpu.enqueue_indirect_dma source(%dma_start3A_169 : memref<1000x16xf32, #tpu.memory_space<hbm>>) target(%dma_start3A_163 : memref<128x16xf32, #tpu.memory_space<vmem>>) offsets(%dma_start3A_166 : memref<128xi32, #tpu.memory_space<vmem>>) semaphore(%arg7 : memref<!tpu.dma_semaphore, #tpu.memory_space<semaphore_mem>>)
    %dma_start3A_170 = arith.constant 17 : i32
    %dma_start3A_171 = arith.constant 2176 : i32
    %dma_start3A_172 = arith.constant 0 : i32
    %dma_start3A_173 = tpu.memref_slice %arg6[%dma_start3A_171, %dma_start3A_172] : memref<2560x16xf32, #tpu.memory_space<vmem>> -> memref<128x16xf32, #tpu.memory_space<vmem>>
    %dma_start3A_174 = arith.constant 0 : i32
    %dma_start3A_175 = tpu.memref_slice %arg5[%dma_start3A_170, %dma_start3A_174] : memref<20x128xi32, #tpu.memory_space<vmem>> -> memref<1x128xi32, #tpu.memory_space<vmem>>
    %dma_start3A_176 = tpu.memref_squeeze %dma_start3A_175 : memref<1x128xi32, #tpu.memory_space<vmem>> -> memref<128xi32, #tpu.memory_space<vmem>>
    %dma_start3A_177 = arith.constant 0 : i32
    %dma_start3A_178 = arith.constant 0 : i32
    %dma_start3A_179 = tpu.memref_slice %arg3[%dma_start3A_177, %dma_start3A_178] : memref<1000x16xf32, #tpu.memory_space<hbm>> -> memref<1000x16xf32, #tpu.memory_space<hbm>>
    tpu.enqueue_indirect_dma source(%dma_start3A_179 : memref<1000x16xf32, #tpu.memory_space<hbm>>) target(%dma_start3A_173 : memref<128x16xf32, #tpu.memory_space<vmem>>) offsets(%dma_start3A_176 : memref<128xi32, #tpu.memory_space<vmem>>) semaphore(%arg7 : memref<!tpu.dma_semaphore, #tpu.memory_space<semaphore_mem>>)
    %dma_start3A_180 = arith.constant 18 : i32
    %dma_start3A_181 = arith.constant 2304 : i32
    %dma_start3A_182 = arith.constant 0 : i32
    %dma_start3A_183 = tpu.memref_slice %arg6[%dma_start3A_181, %dma_start3A_182] : memref<2560x16xf32, #tpu.memory_space<vmem>> -> memref<128x16xf32, #tpu.memory_space<vmem>>
    %dma_start3A_184 = arith.constant 0 : i32
    %dma_start3A_185 = tpu.memref_slice %arg5[%dma_start3A_180, %dma_start3A_184] : memref<20x128xi32, #tpu.memory_space<vmem>> -> memref<1x128xi32, #tpu.memory_space<vmem>>
    %dma_start3A_186 = tpu.memref_squeeze %dma_start3A_185 : memref<1x128xi32, #tpu.memory_space<vmem>> -> memref<128xi32, #tpu.memory_space<vmem>>
    %dma_start3A_187 = arith.constant 0 : i32
    %dma_start3A_188 = arith.constant 0 : i32
    %dma_start3A_189 = tpu.memref_slice %arg3[%dma_start3A_187, %dma_start3A_188] : memref<1000x16xf32, #tpu.memory_space<hbm>> -> memref<1000x16xf32, #tpu.memory_space<hbm>>
    tpu.enqueue_indirect_dma source(%dma_start3A_189 : memref<1000x16xf32, #tpu.memory_space<hbm>>) target(%dma_start3A_183 : memref<128x16xf32, #tpu.memory_space<vmem>>) offsets(%dma_start3A_186 : memref<128xi32, #tpu.memory_space<vmem>>) semaphore(%arg7 : memref<!tpu.dma_semaphore, #tpu.memory_space<semaphore_mem>>)
    %dma_start3A_190 = arith.constant 19 : i32
    %dma_start3A_191 = arith.constant 2432 : i32
    %dma_start3A_192 = arith.constant 0 : i32
    %dma_start3A_193 = tpu.memref_slice %arg6[%dma_start3A_191, %dma_start3A_192] : memref<2560x16xf32, #tpu.memory_space<vmem>> -> memref<128x16xf32, #tpu.memory_space<vmem>>
    %dma_start3A_194 = arith.constant 0 : i32
    %dma_start3A_195 = tpu.memref_slice %arg5[%dma_start3A_190, %dma_start3A_194] : memref<20x128xi32, #tpu.memory_space<vmem>> -> memref<1x128xi32, #tpu.memory_space<vmem>>
    %dma_start3A_196 = tpu.memref_squeeze %dma_start3A_195 : memref<1x128xi32, #tpu.memory_space<vmem>> -> memref<128xi32, #tpu.memory_space<vmem>>
    %dma_start3A_197 = arith.constant 0 : i32
    %dma_start3A_198 = arith.constant 0 : i32
    %dma_start3A_199 = tpu.memref_slice %arg3[%dma_start3A_197, %dma_start3A_198] : memref<1000x16xf32, #tpu.memory_space<hbm>> -> memref<1000x16xf32, #tpu.memory_space<hbm>>
    tpu.enqueue_indirect_dma source(%dma_start3A_199 : memref<1000x16xf32, #tpu.memory_space<hbm>>) target(%dma_start3A_193 : memref<128x16xf32, #tpu.memory_space<vmem>>) offsets(%dma_start3A_196 : memref<128xi32, #tpu.memory_space<vmem>>) semaphore(%arg7 : memref<!tpu.dma_semaphore, #tpu.memory_space<semaphore_mem>>)
    %dma_wait3A = arith.constant 0 : i32
    %dma_wait3A_200 = arith.constant 0 : i32
    %dma_wait3A_201 = arith.constant 0 : i32
    %dma_wait3A_202 = tpu.memref_slice %arg6[%dma_wait3A_200, %dma_wait3A_201] : memref<2560x16xf32, #tpu.memory_space<vmem>> -> memref<128x16xf32, #tpu.memory_space<vmem>>
    %dma_wait3A_203 = arith.constant 0 : i32
    %dma_wait3A_204 = tpu.memref_slice %arg5[%dma_wait3A, %dma_wait3A_203] : memref<20x128xi32, #tpu.memory_space<vmem>> -> memref<1x128xi32, #tpu.memory_space<vmem>>
    %dma_wait3A_205 = tpu.memref_squeeze %dma_wait3A_204 : memref<1x128xi32, #tpu.memory_space<vmem>> -> memref<128xi32, #tpu.memory_space<vmem>>
    %dma_wait3A_206 = arith.constant 0 : i32
    %dma_wait3A_207 = arith.constant 0 : i32
    %dma_wait3A_208 = tpu.memref_slice %arg3[%dma_wait3A_206, %dma_wait3A_207] : memref<1000x16xf32, #tpu.memory_space<hbm>> -> memref<1000x16xf32, #tpu.memory_space<hbm>>
    tpu.wait_indirect_dma semaphore(%arg7 : memref<!tpu.dma_semaphore, #tpu.memory_space<semaphore_mem>>) src(%dma_wait3A_208 : memref<1000x16xf32, #tpu.memory_space<hbm>>) dst(%dma_wait3A_202 : memref<128x16xf32, #tpu.memory_space<vmem>>)
    %dma_wait3A_209 = arith.constant 1 : i32
    %dma_wait3A_210 = arith.constant 128 : i32
    %dma_wait3A_211 = arith.constant 0 : i32
    %dma_wait3A_212 = tpu.memref_slice %arg6[%dma_wait3A_210, %dma_wait3A_211] : memref<2560x16xf32, #tpu.memory_space<vmem>> -> memref<128x16xf32, #tpu.memory_space<vmem>>
    %dma_wait3A_213 = arith.constant 0 : i32
    %dma_wait3A_214 = tpu.memref_slice %arg5[%dma_wait3A_209, %dma_wait3A_213] : memref<20x128xi32, #tpu.memory_space<vmem>> -> memref<1x128xi32, #tpu.memory_space<vmem>>
    %dma_wait3A_215 = tpu.memref_squeeze %dma_wait3A_214 : memref<1x128xi32, #tpu.memory_space<vmem>> -> memref<128xi32, #tpu.memory_space<vmem>>
    %dma_wait3A_216 = arith.constant 0 : i32
    %dma_wait3A_217 = arith.constant 0 : i32
    %dma_wait3A_218 = tpu.memref_slice %arg3[%dma_wait3A_216, %dma_wait3A_217] : memref<1000x16xf32, #tpu.memory_space<hbm>> -> memref<1000x16xf32, #tpu.memory_space<hbm>>
    tpu.wait_indirect_dma semaphore(%arg7 : memref<!tpu.dma_semaphore, #tpu.memory_space<semaphore_mem>>) src(%dma_wait3A_218 : memref<1000x16xf32, #tpu.memory_space<hbm>>) dst(%dma_wait3A_212 : memref<128x16xf32, #tpu.memory_space<vmem>>)
    %dma_wait3A_219 = arith.constant 2 : i32
    %dma_wait3A_220 = arith.constant 256 : i32
    %dma_wait3A_221 = arith.constant 0 : i32
    %dma_wait3A_222 = tpu.memref_slice %arg6[%dma_wait3A_220, %dma_wait3A_221] : memref<2560x16xf32, #tpu.memory_space<vmem>> -> memref<128x16xf32, #tpu.memory_space<vmem>>
    %dma_wait3A_223 = arith.constant 0 : i32
    %dma_wait3A_224 = tpu.memref_slice %arg5[%dma_wait3A_219, %dma_wait3A_223] : memref<20x128xi32, #tpu.memory_space<vmem>> -> memref<1x128xi32, #tpu.memory_space<vmem>>
    %dma_wait3A_225 = tpu.memref_squeeze %dma_wait3A_224 : memref<1x128xi32, #tpu.memory_space<vmem>> -> memref<128xi32, #tpu.memory_space<vmem>>
    %dma_wait3A_226 = arith.constant 0 : i32
    %dma_wait3A_227 = arith.constant 0 : i32
    %dma_wait3A_228 = tpu.memref_slice %arg3[%dma_wait3A_226, %dma_wait3A_227] : memref<1000x16xf32, #tpu.memory_space<hbm>> -> memref<1000x16xf32, #tpu.memory_space<hbm>>
    tpu.wait_indirect_dma semaphore(%arg7 : memref<!tpu.dma_semaphore, #tpu.memory_space<semaphore_mem>>) src(%dma_wait3A_228 : memref<1000x16xf32, #tpu.memory_space<hbm>>) dst(%dma_wait3A_222 : memref<128x16xf32, #tpu.memory_space<vmem>>)
    %dma_wait3A_229 = arith.constant 3 : i32
    %dma_wait3A_230 = arith.constant 384 : i32
    %dma_wait3A_231 = arith.constant 0 : i32
    %dma_wait3A_232 = tpu.memref_slice %arg6[%dma_wait3A_230, %dma_wait3A_231] : memref<2560x16xf32, #tpu.memory_space<vmem>> -> memref<128x16xf32, #tpu.memory_space<vmem>>
    %dma_wait3A_233 = arith.constant 0 : i32
    %dma_wait3A_234 = tpu.memref_slice %arg5[%dma_wait3A_229, %dma_wait3A_233] : memref<20x128xi32, #tpu.memory_space<vmem>> -> memref<1x128xi32, #tpu.memory_space<vmem>>
    %dma_wait3A_235 = tpu.memref_squeeze %dma_wait3A_234 : memref<1x128xi32, #tpu.memory_space<vmem>> -> memref<128xi32, #tpu.memory_space<vmem>>
    %dma_wait3A_236 = arith.constant 0 : i32
    %dma_wait3A_237 = arith.constant 0 : i32
    %dma_wait3A_238 = tpu.memref_slice %arg3[%dma_wait3A_236, %dma_wait3A_237] : memref<1000x16xf32, #tpu.memory_space<hbm>> -> memref<1000x16xf32, #tpu.memory_space<hbm>>
    tpu.wait_indirect_dma semaphore(%arg7 : memref<!tpu.dma_semaphore, #tpu.memory_space<semaphore_mem>>) src(%dma_wait3A_238 : memref<1000x16xf32, #tpu.memory_space<hbm>>) dst(%dma_wait3A_232 : memref<128x16xf32, #tpu.memory_space<vmem>>)
    %dma_wait3A_239 = arith.constant 4 : i32
    %dma_wait3A_240 = arith.constant 512 : i32
    %dma_wait3A_241 = arith.constant 0 : i32
    %dma_wait3A_242 = tpu.memref_slice %arg6[%dma_wait3A_240, %dma_wait3A_241] : memref<2560x16xf32, #tpu.memory_space<vmem>> -> memref<128x16xf32, #tpu.memory_space<vmem>>
    %dma_wait3A_243 = arith.constant 0 : i32
    %dma_wait3A_244 = tpu.memref_slice %arg5[%dma_wait3A_239, %dma_wait3A_243] : memref<20x128xi32, #tpu.memory_space<vmem>> -> memref<1x128xi32, #tpu.memory_space<vmem>>
    %dma_wait3A_245 = tpu.memref_squeeze %dma_wait3A_244 : memref<1x128xi32, #tpu.memory_space<vmem>> -> memref<128xi32, #tpu.memory_space<vmem>>
    %dma_wait3A_246 = arith.constant 0 : i32
    %dma_wait3A_247 = arith.constant 0 : i32
    %dma_wait3A_248 = tpu.memref_slice %arg3[%dma_wait3A_246, %dma_wait3A_247] : memref<1000x16xf32, #tpu.memory_space<hbm>> -> memref<1000x16xf32, #tpu.memory_space<hbm>>
    tpu.wait_indirect_dma semaphore(%arg7 : memref<!tpu.dma_semaphore, #tpu.memory_space<semaphore_mem>>) src(%dma_wait3A_248 : memref<1000x16xf32, #tpu.memory_space<hbm>>) dst(%dma_wait3A_242 : memref<128x16xf32, #tpu.memory_space<vmem>>)
    %dma_wait3A_249 = arith.constant 5 : i32
    %dma_wait3A_250 = arith.constant 640 : i32
    %dma_wait3A_251 = arith.constant 0 : i32
    %dma_wait3A_252 = tpu.memref_slice %arg6[%dma_wait3A_250, %dma_wait3A_251] : memref<2560x16xf32, #tpu.memory_space<vmem>> -> memref<128x16xf32, #tpu.memory_space<vmem>>
    %dma_wait3A_253 = arith.constant 0 : i32
    %dma_wait3A_254 = tpu.memref_slice %arg5[%dma_wait3A_249, %dma_wait3A_253] : memref<20x128xi32, #tpu.memory_space<vmem>> -> memref<1x128xi32, #tpu.memory_space<vmem>>
    %dma_wait3A_255 = tpu.memref_squeeze %dma_wait3A_254 : memref<1x128xi32, #tpu.memory_space<vmem>> -> memref<128xi32, #tpu.memory_space<vmem>>
    %dma_wait3A_256 = arith.constant 0 : i32
    %dma_wait3A_257 = arith.constant 0 : i32
    %dma_wait3A_258 = tpu.memref_slice %arg3[%dma_wait3A_256, %dma_wait3A_257] : memref<1000x16xf32, #tpu.memory_space<hbm>> -> memref<1000x16xf32, #tpu.memory_space<hbm>>
    tpu.wait_indirect_dma semaphore(%arg7 : memref<!tpu.dma_semaphore, #tpu.memory_space<semaphore_mem>>) src(%dma_wait3A_258 : memref<1000x16xf32, #tpu.memory_space<hbm>>) dst(%dma_wait3A_252 : memref<128x16xf32, #tpu.memory_space<vmem>>)
    %dma_wait3A_259 = arith.constant 6 : i32
    %dma_wait3A_260 = arith.constant 768 : i32
    %dma_wait3A_261 = arith.constant 0 : i32
    %dma_wait3A_262 = tpu.memref_slice %arg6[%dma_wait3A_260, %dma_wait3A_261] : memref<2560x16xf32, #tpu.memory_space<vmem>> -> memref<128x16xf32, #tpu.memory_space<vmem>>
    %dma_wait3A_263 = arith.constant 0 : i32
    %dma_wait3A_264 = tpu.memref_slice %arg5[%dma_wait3A_259, %dma_wait3A_263] : memref<20x128xi32, #tpu.memory_space<vmem>> -> memref<1x128xi32, #tpu.memory_space<vmem>>
    %dma_wait3A_265 = tpu.memref_squeeze %dma_wait3A_264 : memref<1x128xi32, #tpu.memory_space<vmem>> -> memref<128xi32, #tpu.memory_space<vmem>>
    %dma_wait3A_266 = arith.constant 0 : i32
    %dma_wait3A_267 = arith.constant 0 : i32
    %dma_wait3A_268 = tpu.memref_slice %arg3[%dma_wait3A_266, %dma_wait3A_267] : memref<1000x16xf32, #tpu.memory_space<hbm>> -> memref<1000x16xf32, #tpu.memory_space<hbm>>
    tpu.wait_indirect_dma semaphore(%arg7 : memref<!tpu.dma_semaphore, #tpu.memory_space<semaphore_mem>>) src(%dma_wait3A_268 : memref<1000x16xf32, #tpu.memory_space<hbm>>) dst(%dma_wait3A_262 : memref<128x16xf32, #tpu.memory_space<vmem>>)
    %dma_wait3A_269 = arith.constant 7 : i32
    %dma_wait3A_270 = arith.constant 896 : i32
    %dma_wait3A_271 = arith.constant 0 : i32
    %dma_wait3A_272 = tpu.memref_slice %arg6[%dma_wait3A_270, %dma_wait3A_271] : memref<2560x16xf32, #tpu.memory_space<vmem>> -> memref<128x16xf32, #tpu.memory_space<vmem>>
    %dma_wait3A_273 = arith.constant 0 : i32
    %dma_wait3A_274 = tpu.memref_slice %arg5[%dma_wait3A_269, %dma_wait3A_273] : memref<20x128xi32, #tpu.memory_space<vmem>> -> memref<1x128xi32, #tpu.memory_space<vmem>>
    %dma_wait3A_275 = tpu.memref_squeeze %dma_wait3A_274 : memref<1x128xi32, #tpu.memory_space<vmem>> -> memref<128xi32, #tpu.memory_space<vmem>>
    %dma_wait3A_276 = arith.constant 0 : i32
    %dma_wait3A_277 = arith.constant 0 : i32
    %dma_wait3A_278 = tpu.memref_slice %arg3[%dma_wait3A_276, %dma_wait3A_277] : memref<1000x16xf32, #tpu.memory_space<hbm>> -> memref<1000x16xf32, #tpu.memory_space<hbm>>
    tpu.wait_indirect_dma semaphore(%arg7 : memref<!tpu.dma_semaphore, #tpu.memory_space<semaphore_mem>>) src(%dma_wait3A_278 : memref<1000x16xf32, #tpu.memory_space<hbm>>) dst(%dma_wait3A_272 : memref<128x16xf32, #tpu.memory_space<vmem>>)
    %dma_wait3A_279 = arith.constant 8 : i32
    %dma_wait3A_280 = arith.constant 1024 : i32
    %dma_wait3A_281 = arith.constant 0 : i32
    %dma_wait3A_282 = tpu.memref_slice %arg6[%dma_wait3A_280, %dma_wait3A_281] : memref<2560x16xf32, #tpu.memory_space<vmem>> -> memref<128x16xf32, #tpu.memory_space<vmem>>
    %dma_wait3A_283 = arith.constant 0 : i32
    %dma_wait3A_284 = tpu.memref_slice %arg5[%dma_wait3A_279, %dma_wait3A_283] : memref<20x128xi32, #tpu.memory_space<vmem>> -> memref<1x128xi32, #tpu.memory_space<vmem>>
    %dma_wait3A_285 = tpu.memref_squeeze %dma_wait3A_284 : memref<1x128xi32, #tpu.memory_space<vmem>> -> memref<128xi32, #tpu.memory_space<vmem>>
    %dma_wait3A_286 = arith.constant 0 : i32
    %dma_wait3A_287 = arith.constant 0 : i32
    %dma_wait3A_288 = tpu.memref_slice %arg3[%dma_wait3A_286, %dma_wait3A_287] : memref<1000x16xf32, #tpu.memory_space<hbm>> -> memref<1000x16xf32, #tpu.memory_space<hbm>>
    tpu.wait_indirect_dma semaphore(%arg7 : memref<!tpu.dma_semaphore, #tpu.memory_space<semaphore_mem>>) src(%dma_wait3A_288 : memref<1000x16xf32, #tpu.memory_space<hbm>>) dst(%dma_wait3A_282 : memref<128x16xf32, #tpu.memory_space<vmem>>)
    %dma_wait3A_289 = arith.constant 9 : i32
    %dma_wait3A_290 = arith.constant 1152 : i32
    %dma_wait3A_291 = arith.constant 0 : i32
    %dma_wait3A_292 = tpu.memref_slice %arg6[%dma_wait3A_290, %dma_wait3A_291] : memref<2560x16xf32, #tpu.memory_space<vmem>> -> memref<128x16xf32, #tpu.memory_space<vmem>>
    %dma_wait3A_293 = arith.constant 0 : i32
    %dma_wait3A_294 = tpu.memref_slice %arg5[%dma_wait3A_289, %dma_wait3A_293] : memref<20x128xi32, #tpu.memory_space<vmem>> -> memref<1x128xi32, #tpu.memory_space<vmem>>
    %dma_wait3A_295 = tpu.memref_squeeze %dma_wait3A_294 : memref<1x128xi32, #tpu.memory_space<vmem>> -> memref<128xi32, #tpu.memory_space<vmem>>
    %dma_wait3A_296 = arith.constant 0 : i32
    %dma_wait3A_297 = arith.constant 0 : i32
    %dma_wait3A_298 = tpu.memref_slice %arg3[%dma_wait3A_296, %dma_wait3A_297] : memref<1000x16xf32, #tpu.memory_space<hbm>> -> memref<1000x16xf32, #tpu.memory_space<hbm>>
    tpu.wait_indirect_dma semaphore(%arg7 : memref<!tpu.dma_semaphore, #tpu.memory_space<semaphore_mem>>) src(%dma_wait3A_298 : memref<1000x16xf32, #tpu.memory_space<hbm>>) dst(%dma_wait3A_292 : memref<128x16xf32, #tpu.memory_space<vmem>>)
    %dma_wait3A_299 = arith.constant 10 : i32
    %dma_wait3A_300 = arith.constant 1280 : i32
    %dma_wait3A_301 = arith.constant 0 : i32
    %dma_wait3A_302 = tpu.memref_slice %arg6[%dma_wait3A_300, %dma_wait3A_301] : memref<2560x16xf32, #tpu.memory_space<vmem>> -> memref<128x16xf32, #tpu.memory_space<vmem>>
    %dma_wait3A_303 = arith.constant 0 : i32
    %dma_wait3A_304 = tpu.memref_slice %arg5[%dma_wait3A_299, %dma_wait3A_303] : memref<20x128xi32, #tpu.memory_space<vmem>> -> memref<1x128xi32, #tpu.memory_space<vmem>>
    %dma_wait3A_305 = tpu.memref_squeeze %dma_wait3A_304 : memref<1x128xi32, #tpu.memory_space<vmem>> -> memref<128xi32, #tpu.memory_space<vmem>>
    %dma_wait3A_306 = arith.constant 0 : i32
    %dma_wait3A_307 = arith.constant 0 : i32
    %dma_wait3A_308 = tpu.memref_slice %arg3[%dma_wait3A_306, %dma_wait3A_307] : memref<1000x16xf32, #tpu.memory_space<hbm>> -> memref<1000x16xf32, #tpu.memory_space<hbm>>
    tpu.wait_indirect_dma semaphore(%arg7 : memref<!tpu.dma_semaphore, #tpu.memory_space<semaphore_mem>>) src(%dma_wait3A_308 : memref<1000x16xf32, #tpu.memory_space<hbm>>) dst(%dma_wait3A_302 : memref<128x16xf32, #tpu.memory_space<vmem>>)
    %dma_wait3A_309 = arith.constant 11 : i32
    %dma_wait3A_310 = arith.constant 1408 : i32
    %dma_wait3A_311 = arith.constant 0 : i32
    %dma_wait3A_312 = tpu.memref_slice %arg6[%dma_wait3A_310, %dma_wait3A_311] : memref<2560x16xf32, #tpu.memory_space<vmem>> -> memref<128x16xf32, #tpu.memory_space<vmem>>
    %dma_wait3A_313 = arith.constant 0 : i32
    %dma_wait3A_314 = tpu.memref_slice %arg5[%dma_wait3A_309, %dma_wait3A_313] : memref<20x128xi32, #tpu.memory_space<vmem>> -> memref<1x128xi32, #tpu.memory_space<vmem>>
    %dma_wait3A_315 = tpu.memref_squeeze %dma_wait3A_314 : memref<1x128xi32, #tpu.memory_space<vmem>> -> memref<128xi32, #tpu.memory_space<vmem>>
    %dma_wait3A_316 = arith.constant 0 : i32
    %dma_wait3A_317 = arith.constant 0 : i32
    %dma_wait3A_318 = tpu.memref_slice %arg3[%dma_wait3A_316, %dma_wait3A_317] : memref<1000x16xf32, #tpu.memory_space<hbm>> -> memref<1000x16xf32, #tpu.memory_space<hbm>>
    tpu.wait_indirect_dma semaphore(%arg7 : memref<!tpu.dma_semaphore, #tpu.memory_space<semaphore_mem>>) src(%dma_wait3A_318 : memref<1000x16xf32, #tpu.memory_space<hbm>>) dst(%dma_wait3A_312 : memref<128x16xf32, #tpu.memory_space<vmem>>)
    %dma_wait3A_319 = arith.constant 12 : i32
    %dma_wait3A_320 = arith.constant 1536 : i32
    %dma_wait3A_321 = arith.constant 0 : i32
    %dma_wait3A_322 = tpu.memref_slice %arg6[%dma_wait3A_320, %dma_wait3A_321] : memref<2560x16xf32, #tpu.memory_space<vmem>> -> memref<128x16xf32, #tpu.memory_space<vmem>>
    %dma_wait3A_323 = arith.constant 0 : i32
    %dma_wait3A_324 = tpu.memref_slice %arg5[%dma_wait3A_319, %dma_wait3A_323] : memref<20x128xi32, #tpu.memory_space<vmem>> -> memref<1x128xi32, #tpu.memory_space<vmem>>
    %dma_wait3A_325 = tpu.memref_squeeze %dma_wait3A_324 : memref<1x128xi32, #tpu.memory_space<vmem>> -> memref<128xi32, #tpu.memory_space<vmem>>
    %dma_wait3A_326 = arith.constant 0 : i32
    %dma_wait3A_327 = arith.constant 0 : i32
    %dma_wait3A_328 = tpu.memref_slice %arg3[%dma_wait3A_326, %dma_wait3A_327] : memref<1000x16xf32, #tpu.memory_space<hbm>> -> memref<1000x16xf32, #tpu.memory_space<hbm>>
    tpu.wait_indirect_dma semaphore(%arg7 : memref<!tpu.dma_semaphore, #tpu.memory_space<semaphore_mem>>) src(%dma_wait3A_328 : memref<1000x16xf32, #tpu.memory_space<hbm>>) dst(%dma_wait3A_322 : memref<128x16xf32, #tpu.memory_space<vmem>>)
    %dma_wait3A_329 = arith.constant 13 : i32
    %dma_wait3A_330 = arith.constant 1664 : i32
    %dma_wait3A_331 = arith.constant 0 : i32
    %dma_wait3A_332 = tpu.memref_slice %arg6[%dma_wait3A_330, %dma_wait3A_331] : memref<2560x16xf32, #tpu.memory_space<vmem>> -> memref<128x16xf32, #tpu.memory_space<vmem>>
    %dma_wait3A_333 = arith.constant 0 : i32
    %dma_wait3A_334 = tpu.memref_slice %arg5[%dma_wait3A_329, %dma_wait3A_333] : memref<20x128xi32, #tpu.memory_space<vmem>> -> memref<1x128xi32, #tpu.memory_space<vmem>>
    %dma_wait3A_335 = tpu.memref_squeeze %dma_wait3A_334 : memref<1x128xi32, #tpu.memory_space<vmem>> -> memref<128xi32, #tpu.memory_space<vmem>>
    %dma_wait3A_336 = arith.constant 0 : i32
    %dma_wait3A_337 = arith.constant 0 : i32
    %dma_wait3A_338 = tpu.memref_slice %arg3[%dma_wait3A_336, %dma_wait3A_337] : memref<1000x16xf32, #tpu.memory_space<hbm>> -> memref<1000x16xf32, #tpu.memory_space<hbm>>
    tpu.wait_indirect_dma semaphore(%arg7 : memref<!tpu.dma_semaphore, #tpu.memory_space<semaphore_mem>>) src(%dma_wait3A_338 : memref<1000x16xf32, #tpu.memory_space<hbm>>) dst(%dma_wait3A_332 : memref<128x16xf32, #tpu.memory_space<vmem>>)
    %dma_wait3A_339 = arith.constant 14 : i32
    %dma_wait3A_340 = arith.constant 1792 : i32
    %dma_wait3A_341 = arith.constant 0 : i32
    %dma_wait3A_342 = tpu.memref_slice %arg6[%dma_wait3A_340, %dma_wait3A_341] : memref<2560x16xf32, #tpu.memory_space<vmem>> -> memref<128x16xf32, #tpu.memory_space<vmem>>
    %dma_wait3A_343 = arith.constant 0 : i32
    %dma_wait3A_344 = tpu.memref_slice %arg5[%dma_wait3A_339, %dma_wait3A_343] : memref<20x128xi32, #tpu.memory_space<vmem>> -> memref<1x128xi32, #tpu.memory_space<vmem>>
    %dma_wait3A_345 = tpu.memref_squeeze %dma_wait3A_344 : memref<1x128xi32, #tpu.memory_space<vmem>> -> memref<128xi32, #tpu.memory_space<vmem>>
    %dma_wait3A_346 = arith.constant 0 : i32
    %dma_wait3A_347 = arith.constant 0 : i32
    %dma_wait3A_348 = tpu.memref_slice %arg3[%dma_wait3A_346, %dma_wait3A_347] : memref<1000x16xf32, #tpu.memory_space<hbm>> -> memref<1000x16xf32, #tpu.memory_space<hbm>>
    tpu.wait_indirect_dma semaphore(%arg7 : memref<!tpu.dma_semaphore, #tpu.memory_space<semaphore_mem>>) src(%dma_wait3A_348 : memref<1000x16xf32, #tpu.memory_space<hbm>>) dst(%dma_wait3A_342 : memref<128x16xf32, #tpu.memory_space<vmem>>)
    %dma_wait3A_349 = arith.constant 15 : i32
    %dma_wait3A_350 = arith.constant 1920 : i32
    %dma_wait3A_351 = arith.constant 0 : i32
    %dma_wait3A_352 = tpu.memref_slice %arg6[%dma_wait3A_350, %dma_wait3A_351] : memref<2560x16xf32, #tpu.memory_space<vmem>> -> memref<128x16xf32, #tpu.memory_space<vmem>>
    %dma_wait3A_353 = arith.constant 0 : i32
    %dma_wait3A_354 = tpu.memref_slice %arg5[%dma_wait3A_349, %dma_wait3A_353] : memref<20x128xi32, #tpu.memory_space<vmem>> -> memref<1x128xi32, #tpu.memory_space<vmem>>
    %dma_wait3A_355 = tpu.memref_squeeze %dma_wait3A_354 : memref<1x128xi32, #tpu.memory_space<vmem>> -> memref<128xi32, #tpu.memory_space<vmem>>
    %dma_wait3A_356 = arith.constant 0 : i32
    %dma_wait3A_357 = arith.constant 0 : i32
    %dma_wait3A_358 = tpu.memref_slice %arg3[%dma_wait3A_356, %dma_wait3A_357] : memref<1000x16xf32, #tpu.memory_space<hbm>> -> memref<1000x16xf32, #tpu.memory_space<hbm>>
    tpu.wait_indirect_dma semaphore(%arg7 : memref<!tpu.dma_semaphore, #tpu.memory_space<semaphore_mem>>) src(%dma_wait3A_358 : memref<1000x16xf32, #tpu.memory_space<hbm>>) dst(%dma_wait3A_352 : memref<128x16xf32, #tpu.memory_space<vmem>>)
    %dma_wait3A_359 = arith.constant 16 : i32
    %dma_wait3A_360 = arith.constant 2048 : i32
    %dma_wait3A_361 = arith.constant 0 : i32
    %dma_wait3A_362 = tpu.memref_slice %arg6[%dma_wait3A_360, %dma_wait3A_361] : memref<2560x16xf32, #tpu.memory_space<vmem>> -> memref<128x16xf32, #tpu.memory_space<vmem>>
    %dma_wait3A_363 = arith.constant 0 : i32
    %dma_wait3A_364 = tpu.memref_slice %arg5[%dma_wait3A_359, %dma_wait3A_363] : memref<20x128xi32, #tpu.memory_space<vmem>> -> memref<1x128xi32, #tpu.memory_space<vmem>>
    %dma_wait3A_365 = tpu.memref_squeeze %dma_wait3A_364 : memref<1x128xi32, #tpu.memory_space<vmem>> -> memref<128xi32, #tpu.memory_space<vmem>>
    %dma_wait3A_366 = arith.constant 0 : i32
    %dma_wait3A_367 = arith.constant 0 : i32
    %dma_wait3A_368 = tpu.memref_slice %arg3[%dma_wait3A_366, %dma_wait3A_367] : memref<1000x16xf32, #tpu.memory_space<hbm>> -> memref<1000x16xf32, #tpu.memory_space<hbm>>
    tpu.wait_indirect_dma semaphore(%arg7 : memref<!tpu.dma_semaphore, #tpu.memory_space<semaphore_mem>>) src(%dma_wait3A_368 : memref<1000x16xf32, #tpu.memory_space<hbm>>) dst(%dma_wait3A_362 : memref<128x16xf32, #tpu.memory_space<vmem>>)
    %dma_wait3A_369 = arith.constant 17 : i32
    %dma_wait3A_370 = arith.constant 2176 : i32
    %dma_wait3A_371 = arith.constant 0 : i32
    %dma_wait3A_372 = tpu.memref_slice %arg6[%dma_wait3A_370, %dma_wait3A_371] : memref<2560x16xf32, #tpu.memory_space<vmem>> -> memref<128x16xf32, #tpu.memory_space<vmem>>
    %dma_wait3A_373 = arith.constant 0 : i32
    %dma_wait3A_374 = tpu.memref_slice %arg5[%dma_wait3A_369, %dma_wait3A_373] : memref<20x128xi32, #tpu.memory_space<vmem>> -> memref<1x128xi32, #tpu.memory_space<vmem>>
    %dma_wait3A_375 = tpu.memref_squeeze %dma_wait3A_374 : memref<1x128xi32, #tpu.memory_space<vmem>> -> memref<128xi32, #tpu.memory_space<vmem>>
    %dma_wait3A_376 = arith.constant 0 : i32
    %dma_wait3A_377 = arith.constant 0 : i32
    %dma_wait3A_378 = tpu.memref_slice %arg3[%dma_wait3A_376, %dma_wait3A_377] : memref<1000x16xf32, #tpu.memory_space<hbm>> -> memref<1000x16xf32, #tpu.memory_space<hbm>>
    tpu.wait_indirect_dma semaphore(%arg7 : memref<!tpu.dma_semaphore, #tpu.memory_space<semaphore_mem>>) src(%dma_wait3A_378 : memref<1000x16xf32, #tpu.memory_space<hbm>>) dst(%dma_wait3A_372 : memref<128x16xf32, #tpu.memory_space<vmem>>)
    %dma_wait3A_379 = arith.constant 18 : i32
    %dma_wait3A_380 = arith.constant 2304 : i32
    %dma_wait3A_381 = arith.constant 0 : i32
    %dma_wait3A_382 = tpu.memref_slice %arg6[%dma_wait3A_380, %dma_wait3A_381] : memref<2560x16xf32, #tpu.memory_space<vmem>> -> memref<128x16xf32, #tpu.memory_space<vmem>>
    %dma_wait3A_383 = arith.constant 0 : i32
    %dma_wait3A_384 = tpu.memref_slice %arg5[%dma_wait3A_379, %dma_wait3A_383] : memref<20x128xi32, #tpu.memory_space<vmem>> -> memref<1x128xi32, #tpu.memory_space<vmem>>
    %dma_wait3A_385 = tpu.memref_squeeze %dma_wait3A_384 : memref<1x128xi32, #tpu.memory_space<vmem>> -> memref<128xi32, #tpu.memory_space<vmem>>
    %dma_wait3A_386 = arith.constant 0 : i32
    %dma_wait3A_387 = arith.constant 0 : i32
    %dma_wait3A_388 = tpu.memref_slice %arg3[%dma_wait3A_386, %dma_wait3A_387] : memref<1000x16xf32, #tpu.memory_space<hbm>> -> memref<1000x16xf32, #tpu.memory_space<hbm>>
    tpu.wait_indirect_dma semaphore(%arg7 : memref<!tpu.dma_semaphore, #tpu.memory_space<semaphore_mem>>) src(%dma_wait3A_388 : memref<1000x16xf32, #tpu.memory_space<hbm>>) dst(%dma_wait3A_382 : memref<128x16xf32, #tpu.memory_space<vmem>>)
    %dma_wait3A_389 = arith.constant 19 : i32
    %dma_wait3A_390 = arith.constant 2432 : i32
    %dma_wait3A_391 = arith.constant 0 : i32
    %dma_wait3A_392 = tpu.memref_slice %arg6[%dma_wait3A_390, %dma_wait3A_391] : memref<2560x16xf32, #tpu.memory_space<vmem>> -> memref<128x16xf32, #tpu.memory_space<vmem>>
    %dma_wait3A_393 = arith.constant 0 : i32
    %dma_wait3A_394 = tpu.memref_slice %arg5[%dma_wait3A_389, %dma_wait3A_393] : memref<20x128xi32, #tpu.memory_space<vmem>> -> memref<1x128xi32, #tpu.memory_space<vmem>>
    %dma_wait3A_395 = tpu.memref_squeeze %dma_wait3A_394 : memref<1x128xi32, #tpu.memory_space<vmem>> -> memref<128xi32, #tpu.memory_space<vmem>>
    %dma_wait3A_396 = arith.constant 0 : i32
    %dma_wait3A_397 = arith.constant 0 : i32
    %dma_wait3A_398 = tpu.memref_slice %arg3[%dma_wait3A_396, %dma_wait3A_397] : memref<1000x16xf32, #tpu.memory_space<hbm>> -> memref<1000x16xf32, #tpu.memory_space<hbm>>
    tpu.wait_indirect_dma semaphore(%arg7 : memref<!tpu.dma_semaphore, #tpu.memory_space<semaphore_mem>>) src(%dma_wait3A_398 : memref<1000x16xf32, #tpu.memory_space<hbm>>) dst(%dma_wait3A_392 : memref<128x16xf32, #tpu.memory_space<vmem>>)
    %mul3A_399 = arith.constant 2560 : i32
    %mul3A_400 = arith.muli %add3A, %mul3A_399 : i32
    "tpu.region"() ({
      %run_scoped3A = tpu.sem_alloc : memref<!tpu.dma_semaphore, #tpu.memory_space<semaphore_mem>>
      %dma_start3A_401 = arith.constant 0 : i32
      %dma_start3A_402 = tpu.memref_slice %arg4[%mul3A_400, %dma_start3A_401] : memref<81920x16xf32, #tpu.memory_space<hbm>> -> memref<2560x16xf32, #tpu.memory_space<hbm>>
      %dma_start3A_403 = arith.constant 0 : i32
      %dma_start3A_404 = tpu.memref_slice %arg4[%mul3A_400, %dma_start3A_403] : memref<81920x16xf32, #tpu.memory_space<hbm>> -> memref<2560x16xf32, #tpu.memory_space<hbm>>
      tpu.enqueue_dma source(%arg6 : memref<2560x16xf32, #tpu.memory_space<vmem>>) target(%dma_start3A_404 : memref<2560x16xf32, #tpu.memory_space<hbm>>) target_semaphore(%run_scoped3A : memref<!tpu.dma_semaphore, #tpu.memory_space<semaphore_mem>>)
      %dma_wait3A_405 = arith.constant 0 : i32
      %dma_wait3A_406 = tpu.memref_slice %arg4[%mul3A_400, %dma_wait3A_405] : memref<81920x16xf32, #tpu.memory_space<hbm>> -> memref<2560x16xf32, #tpu.memory_space<hbm>>
      %dma_wait3A_407 = arith.constant 0 : i32
      %dma_wait3A_408 = tpu.memref_slice %arg4[%mul3A_400, %dma_wait3A_407] : memref<81920x16xf32, #tpu.memory_space<hbm>> -> memref<2560x16xf32, #tpu.memory_space<hbm>>
      tpu.wait_dma2 semaphore(%run_scoped3A : memref<!tpu.dma_semaphore, #tpu.memory_space<semaphore_mem>>) src(%arg6 : memref<2560x16xf32, #tpu.memory_space<vmem>>) dst(%dma_wait3A_408 : memref<2560x16xf32, #tpu.memory_space<hbm>>)
      tpu.yield
    }) : () -> ()
    return
  }
}

module attributes {stable_mosaic.version = 14 : i64} {
  func.func @_tc_body(%arg0: i32, %arg1: memref<20x512x128xf32, #tpu.memory_space<vmem>>, %arg2: memref<512x320xf32, #tpu.memory_space<vmem>>, %arg3: memref<16x16xf32, #tpu.memory_space<vmem>>, %arg4: memref<20x512x128xf32, #tpu.memory_space<vmem>>) attributes {dimension_semantics = [#tpu.dimension_semantics<parallel>], iteration_bounds = array<i64: 8>, scalar_prefetch = 0 : i64, scratch_operands = 0 : i64, tpu.core_type = #tpu.core_type<tc>, window_params = [{transform_indices = @transform_0, window_bounds = array<i64: 20, 512, 128>}, {transform_indices = @transform_1, window_bounds = array<i64: 512, 320>}, {pipeline_mode = #tpu.pipeline_mode<synchronous>, transform_indices = @transform_2, window_bounds = array<i64: 16, 16>}, {transform_indices = @transform_3, window_bounds = array<i64: 20, 512, 128>}]} {
    %get3A = arith.constant 0 : index
    %get3A_0 = arith.constant 0 : index
    %get3A_1 = arith.constant 0 : index
    %get3A_2 = vector.load %arg1[%get3A, %get3A_0, %get3A_1] : memref<20x512x128xf32, #tpu.memory_space<vmem>>, vector<20x512x128xf32>
    %get3A_3 = arith.constant 0 : index
    %get3A_4 = arith.constant 0 : index
    %get3A_5 = vector.load %arg3[%get3A_3, %get3A_4] : memref<16x16xf32, #tpu.memory_space<vmem>>, vector<16x16xf32>
    %get3A_6 = arith.constant 0 : index
    %get3A_7 = arith.constant 0 : index
    %get3A_8 = vector.load %arg2[%get3A_6, %get3A_7] : memref<512x320xf32, #tpu.memory_space<vmem>>, vector<512x320xf32>
    %reshape3A = vector.shape_cast %get3A_8 : vector<512x320xf32> to vector<512x20x16xf32>
    %dot_general3A = arith.constant dense<0.000000e+00> : vector<512x20x16xf32>
    %dot_general3A_9 = tpu.matmul %reshape3A, %get3A_5, %dot_general3A {dimension_numbers = #tpu.dot_dimension_numbers<[2], [0], [0, 1], [1], [0, 0, 0, 1, 1, 1], [], []>, transpose_lhs_hint = false} : vector<512x20x16xf32>, vector<16x16xf32>, vector<512x20x16xf32> -> vector<512x20x16xf32>
    %dot_general3A_10 = arith.constant dense<0.000000e+00> : vector<512x20x20xf32>
    %dot_general3A_11 = tpu.matmul %reshape3A, %dot_general3A_9, %dot_general3A_10 {dimension_numbers = #tpu.dot_dimension_numbers<[2], [2], [1], [1], [0, 0, 0, 1, 1, 1], [0], [0]>, transpose_lhs_hint = false} : vector<512x20x16xf32>, vector<512x20x16xf32>, vector<512x20x20xf32> -> vector<512x20x20xf32>
    %iota3A = tpu.iota {dimensions = array<i32: 0>} : vector<20x20xi32>
    %convert_element_type3A = arith.sitofp %iota3A : vector<20x20xi32> to vector<20x20xf32>
    %iota3A_12 = tpu.iota {dimensions = array<i32: 1>} : vector<20x20xi32>
    %convert_element_type3A_13 = arith.sitofp %iota3A_12 : vector<20x20xi32> to vector<20x20xf32>
    %lt3A = arith.cmpf olt, %convert_element_type3A_13, %convert_element_type3A : vector<20x20xf32>
    %add3A = arith.constant 1.000000e+00 : f32
    %add3A_14 = vector.broadcast %add3A : f32 to vector<20x20xf32>
    %add3A_15 = arith.addf %convert_element_type3A_13, %add3A_14 : vector<20x20xf32>
    %add3A_16 = arith.constant 1.000000e+00 : f32
    %add3A_17 = vector.broadcast %add3A_16 : f32 to vector<20x20xf32>
    %add3A_18 = arith.addf %convert_element_type3A, %add3A_17 : vector<20x20xf32>
    %div3A = arith.divf %add3A_15, %add3A_18 : vector<20x20xf32>
    %jit3A = arith.constant 0.000000e+00 : f32
    %broadcast_in_dim3A = vector.broadcast %jit3A : f32 to vector<20x20xf32>
    %select_n3A = arith.select %lt3A, %div3A, %broadcast_in_dim3A : vector<20x20xi1>, vector<20x20xf32>
    %broadcast_in_dim3A_19 = vector.shape_cast %select_n3A : vector<20x20xf32> to vector<1x20x20xf32>
    %mul3A = vector.broadcast %broadcast_in_dim3A_19 : vector<1x20x20xf32> to vector<512x20x20xf32>
    %mul3A_20 = arith.mulf %dot_general3A_11, %mul3A : vector<512x20x20xf32>
    %dot_general3A_21 = arith.constant dense<0.000000e+00> : vector<512x20x128xf32>
    %dot_general3A_22 = tpu.matmul %mul3A_20, %get3A_2, %dot_general3A_21 {dimension_numbers = #tpu.dot_dimension_numbers<[2], [0], [1], [2], [0, 0, 0, 1, 1, 2], [0], [1]>, transpose_lhs_hint = false} : vector<512x20x20xf32>, vector<20x512x128xf32>, vector<512x20x128xf32> -> vector<512x20x128xf32>
    %slice3A = vector.extract_strided_slice %get3A_2 {offsets = [0, 0, 0], sizes = [1, 512, 128], strides = [1, 1, 1]} : vector<20x512x128xf32> to vector<1x512x128xf32>
    %squeeze3A = vector.shape_cast %slice3A : vector<1x512x128xf32> to vector<512x128xf32>
    %slice3A_23 = vector.extract_strided_slice %dot_general3A_22 {offsets = [0, 0, 0], sizes = [512, 1, 128], strides = [1, 1, 1]} : vector<512x20x128xf32> to vector<512x1x128xf32>
    %squeeze3A_24 = vector.shape_cast %slice3A_23 : vector<512x1x128xf32> to vector<512x128xf32>
    %add3A_25 = arith.addf %squeeze3A, %squeeze3A_24 : vector<512x128xf32>
    %swap3A = arith.constant 0 : index
    %swap3A_26 = arith.constant 0 : index
    %swap3A_27 = arith.constant 0 : index
    %swap3A_28 = vector.load %arg4[%swap3A, %swap3A_26, %swap3A_27] : memref<20x512x128xf32, #tpu.memory_space<vmem>>, vector<1x512x128xf32>
    %swap3A_29 = vector.shape_cast %swap3A_28 : vector<1x512x128xf32> to vector<512x128xf32>
    %swap3A_30 = vector.shape_cast %add3A_25 : vector<512x128xf32> to vector<1x512x128xf32>
    tpu.vector_store %arg4[%swap3A, %swap3A_26, %swap3A_27], %swap3A_30 {strides = array<i32>} : memref<20x512x128xf32, #tpu.memory_space<vmem>>, vector<1x512x128xf32>,
    %slice3A_31 = vector.extract_strided_slice %get3A_2 {offsets = [1, 0, 0], sizes = [1, 512, 128], strides = [1, 1, 1]} : vector<20x512x128xf32> to vector<1x512x128xf32>
    %squeeze3A_32 = vector.shape_cast %slice3A_31 : vector<1x512x128xf32> to vector<512x128xf32>
    %slice3A_33 = vector.extract_strided_slice %dot_general3A_22 {offsets = [0, 1, 0], sizes = [512, 1, 128], strides = [1, 1, 1]} : vector<512x20x128xf32> to vector<512x1x128xf32>
    %squeeze3A_34 = vector.shape_cast %slice3A_33 : vector<512x1x128xf32> to vector<512x128xf32>
    %add3A_35 = arith.addf %squeeze3A_32, %squeeze3A_34 : vector<512x128xf32>
    %swap3A_36 = arith.constant 1 : index
    %swap3A_37 = arith.constant 0 : index
    %swap3A_38 = arith.constant 0 : index
    %swap3A_39 = vector.load %arg4[%swap3A_36, %swap3A_37, %swap3A_38] : memref<20x512x128xf32, #tpu.memory_space<vmem>>, vector<1x512x128xf32>
    %swap3A_40 = vector.shape_cast %swap3A_39 : vector<1x512x128xf32> to vector<512x128xf32>
    %swap3A_41 = vector.shape_cast %add3A_35 : vector<512x128xf32> to vector<1x512x128xf32>
    tpu.vector_store %arg4[%swap3A_36, %swap3A_37, %swap3A_38], %swap3A_41 {strides = array<i32>} : memref<20x512x128xf32, #tpu.memory_space<vmem>>, vector<1x512x128xf32>,
    %slice3A_42 = vector.extract_strided_slice %get3A_2 {offsets = [2, 0, 0], sizes = [1, 512, 128], strides = [1, 1, 1]} : vector<20x512x128xf32> to vector<1x512x128xf32>
    %squeeze3A_43 = vector.shape_cast %slice3A_42 : vector<1x512x128xf32> to vector<512x128xf32>
    %slice3A_44 = vector.extract_strided_slice %dot_general3A_22 {offsets = [0, 2, 0], sizes = [512, 1, 128], strides = [1, 1, 1]} : vector<512x20x128xf32> to vector<512x1x128xf32>
    %squeeze3A_45 = vector.shape_cast %slice3A_44 : vector<512x1x128xf32> to vector<512x128xf32>
    %add3A_46 = arith.addf %squeeze3A_43, %squeeze3A_45 : vector<512x128xf32>
    %swap3A_47 = arith.constant 2 : index
    %swap3A_48 = arith.constant 0 : index
    %swap3A_49 = arith.constant 0 : index
    %swap3A_50 = vector.load %arg4[%swap3A_47, %swap3A_48, %swap3A_49] : memref<20x512x128xf32, #tpu.memory_space<vmem>>, vector<1x512x128xf32>
    %swap3A_51 = vector.shape_cast %swap3A_50 : vector<1x512x128xf32> to vector<512x128xf32>
    %swap3A_52 = vector.shape_cast %add3A_46 : vector<512x128xf32> to vector<1x512x128xf32>
    tpu.vector_store %arg4[%swap3A_47, %swap3A_48, %swap3A_49], %swap3A_52 {strides = array<i32>} : memref<20x512x128xf32, #tpu.memory_space<vmem>>, vector<1x512x128xf32>,
    %slice3A_53 = vector.extract_strided_slice %get3A_2 {offsets = [3, 0, 0], sizes = [1, 512, 128], strides = [1, 1, 1]} : vector<20x512x128xf32> to vector<1x512x128xf32>
    %squeeze3A_54 = vector.shape_cast %slice3A_53 : vector<1x512x128xf32> to vector<512x128xf32>
    %slice3A_55 = vector.extract_strided_slice %dot_general3A_22 {offsets = [0, 3, 0], sizes = [512, 1, 128], strides = [1, 1, 1]} : vector<512x20x128xf32> to vector<512x1x128xf32>
    %squeeze3A_56 = vector.shape_cast %slice3A_55 : vector<512x1x128xf32> to vector<512x128xf32>
    %add3A_57 = arith.addf %squeeze3A_54, %squeeze3A_56 : vector<512x128xf32>
    %swap3A_58 = arith.constant 3 : index
    %swap3A_59 = arith.constant 0 : index
    %swap3A_60 = arith.constant 0 : index
    %swap3A_61 = vector.load %arg4[%swap3A_58, %swap3A_59, %swap3A_60] : memref<20x512x128xf32, #tpu.memory_space<vmem>>, vector<1x512x128xf32>
    %swap3A_62 = vector.shape_cast %swap3A_61 : vector<1x512x128xf32> to vector<512x128xf32>
    %swap3A_63 = vector.shape_cast %add3A_57 : vector<512x128xf32> to vector<1x512x128xf32>
    tpu.vector_store %arg4[%swap3A_58, %swap3A_59, %swap3A_60], %swap3A_63 {strides = array<i32>} : memref<20x512x128xf32, #tpu.memory_space<vmem>>, vector<1x512x128xf32>,
    %slice3A_64 = vector.extract_strided_slice %get3A_2 {offsets = [4, 0, 0], sizes = [1, 512, 128], strides = [1, 1, 1]} : vector<20x512x128xf32> to vector<1x512x128xf32>
    %squeeze3A_65 = vector.shape_cast %slice3A_64 : vector<1x512x128xf32> to vector<512x128xf32>
    %slice3A_66 = vector.extract_strided_slice %dot_general3A_22 {offsets = [0, 4, 0], sizes = [512, 1, 128], strides = [1, 1, 1]} : vector<512x20x128xf32> to vector<512x1x128xf32>
    %squeeze3A_67 = vector.shape_cast %slice3A_66 : vector<512x1x128xf32> to vector<512x128xf32>
    %add3A_68 = arith.addf %squeeze3A_65, %squeeze3A_67 : vector<512x128xf32>
    %swap3A_69 = arith.constant 4 : index
    %swap3A_70 = arith.constant 0 : index
    %swap3A_71 = arith.constant 0 : index
    %swap3A_72 = vector.load %arg4[%swap3A_69, %swap3A_70, %swap3A_71] : memref<20x512x128xf32, #tpu.memory_space<vmem>>, vector<1x512x128xf32>
    %swap3A_73 = vector.shape_cast %swap3A_72 : vector<1x512x128xf32> to vector<512x128xf32>
    %swap3A_74 = vector.shape_cast %add3A_68 : vector<512x128xf32> to vector<1x512x128xf32>
    tpu.vector_store %arg4[%swap3A_69, %swap3A_70, %swap3A_71], %swap3A_74 {strides = array<i32>} : memref<20x512x128xf32, #tpu.memory_space<vmem>>, vector<1x512x128xf32>,
    %slice3A_75 = vector.extract_strided_slice %get3A_2 {offsets = [5, 0, 0], sizes = [1, 512, 128], strides = [1, 1, 1]} : vector<20x512x128xf32> to vector<1x512x128xf32>
    %squeeze3A_76 = vector.shape_cast %slice3A_75 : vector<1x512x128xf32> to vector<512x128xf32>
    %slice3A_77 = vector.extract_strided_slice %dot_general3A_22 {offsets = [0, 5, 0], sizes = [512, 1, 128], strides = [1, 1, 1]} : vector<512x20x128xf32> to vector<512x1x128xf32>
    %squeeze3A_78 = vector.shape_cast %slice3A_77 : vector<512x1x128xf32> to vector<512x128xf32>
    %add3A_79 = arith.addf %squeeze3A_76, %squeeze3A_78 : vector<512x128xf32>
    %swap3A_80 = arith.constant 5 : index
    %swap3A_81 = arith.constant 0 : index
    %swap3A_82 = arith.constant 0 : index
    %swap3A_83 = vector.load %arg4[%swap3A_80, %swap3A_81, %swap3A_82] : memref<20x512x128xf32, #tpu.memory_space<vmem>>, vector<1x512x128xf32>
    %swap3A_84 = vector.shape_cast %swap3A_83 : vector<1x512x128xf32> to vector<512x128xf32>
    %swap3A_85 = vector.shape_cast %add3A_79 : vector<512x128xf32> to vector<1x512x128xf32>
    tpu.vector_store %arg4[%swap3A_80, %swap3A_81, %swap3A_82], %swap3A_85 {strides = array<i32>} : memref<20x512x128xf32, #tpu.memory_space<vmem>>, vector<1x512x128xf32>,
    %slice3A_86 = vector.extract_strided_slice %get3A_2 {offsets = [6, 0, 0], sizes = [1, 512, 128], strides = [1, 1, 1]} : vector<20x512x128xf32> to vector<1x512x128xf32>
    %squeeze3A_87 = vector.shape_cast %slice3A_86 : vector<1x512x128xf32> to vector<512x128xf32>
    %slice3A_88 = vector.extract_strided_slice %dot_general3A_22 {offsets = [0, 6, 0], sizes = [512, 1, 128], strides = [1, 1, 1]} : vector<512x20x128xf32> to vector<512x1x128xf32>
    %squeeze3A_89 = vector.shape_cast %slice3A_88 : vector<512x1x128xf32> to vector<512x128xf32>
    %add3A_90 = arith.addf %squeeze3A_87, %squeeze3A_89 : vector<512x128xf32>
    %swap3A_91 = arith.constant 6 : index
    %swap3A_92 = arith.constant 0 : index
    %swap3A_93 = arith.constant 0 : index
    %swap3A_94 = vector.load %arg4[%swap3A_91, %swap3A_92, %swap3A_93] : memref<20x512x128xf32, #tpu.memory_space<vmem>>, vector<1x512x128xf32>
    %swap3A_95 = vector.shape_cast %swap3A_94 : vector<1x512x128xf32> to vector<512x128xf32>
    %swap3A_96 = vector.shape_cast %add3A_90 : vector<512x128xf32> to vector<1x512x128xf32>
    tpu.vector_store %arg4[%swap3A_91, %swap3A_92, %swap3A_93], %swap3A_96 {strides = array<i32>} : memref<20x512x128xf32, #tpu.memory_space<vmem>>, vector<1x512x128xf32>,
    %slice3A_97 = vector.extract_strided_slice %get3A_2 {offsets = [7, 0, 0], sizes = [1, 512, 128], strides = [1, 1, 1]} : vector<20x512x128xf32> to vector<1x512x128xf32>
    %squeeze3A_98 = vector.shape_cast %slice3A_97 : vector<1x512x128xf32> to vector<512x128xf32>
    %slice3A_99 = vector.extract_strided_slice %dot_general3A_22 {offsets = [0, 7, 0], sizes = [512, 1, 128], strides = [1, 1, 1]} : vector<512x20x128xf32> to vector<512x1x128xf32>
    %squeeze3A_100 = vector.shape_cast %slice3A_99 : vector<512x1x128xf32> to vector<512x128xf32>
    %add3A_101 = arith.addf %squeeze3A_98, %squeeze3A_100 : vector<512x128xf32>
    %swap3A_102 = arith.constant 7 : index
    %swap3A_103 = arith.constant 0 : index
    %swap3A_104 = arith.constant 0 : index
    %swap3A_105 = vector.load %arg4[%swap3A_102, %swap3A_103, %swap3A_104] : memref<20x512x128xf32, #tpu.memory_space<vmem>>, vector<1x512x128xf32>
    %swap3A_106 = vector.shape_cast %swap3A_105 : vector<1x512x128xf32> to vector<512x128xf32>
    %swap3A_107 = vector.shape_cast %add3A_101 : vector<512x128xf32> to vector<1x512x128xf32>
    tpu.vector_store %arg4[%swap3A_102, %swap3A_103, %swap3A_104], %swap3A_107 {strides = array<i32>} : memref<20x512x128xf32, #tpu.memory_space<vmem>>, vector<1x512x128xf32>,
    %slice3A_108 = vector.extract_strided_slice %get3A_2 {offsets = [8, 0, 0], sizes = [1, 512, 128], strides = [1, 1, 1]} : vector<20x512x128xf32> to vector<1x512x128xf32>
    %squeeze3A_109 = vector.shape_cast %slice3A_108 : vector<1x512x128xf32> to vector<512x128xf32>
    %slice3A_110 = vector.extract_strided_slice %dot_general3A_22 {offsets = [0, 8, 0], sizes = [512, 1, 128], strides = [1, 1, 1]} : vector<512x20x128xf32> to vector<512x1x128xf32>
    %squeeze3A_111 = vector.shape_cast %slice3A_110 : vector<512x1x128xf32> to vector<512x128xf32>
    %add3A_112 = arith.addf %squeeze3A_109, %squeeze3A_111 : vector<512x128xf32>
    %swap3A_113 = arith.constant 8 : index
    %swap3A_114 = arith.constant 0 : index
    %swap3A_115 = arith.constant 0 : index
    %swap3A_116 = vector.load %arg4[%swap3A_113, %swap3A_114, %swap3A_115] : memref<20x512x128xf32, #tpu.memory_space<vmem>>, vector<1x512x128xf32>
    %swap3A_117 = vector.shape_cast %swap3A_116 : vector<1x512x128xf32> to vector<512x128xf32>
    %swap3A_118 = vector.shape_cast %add3A_112 : vector<512x128xf32> to vector<1x512x128xf32>
    tpu.vector_store %arg4[%swap3A_113, %swap3A_114, %swap3A_115], %swap3A_118 {strides = array<i32>} : memref<20x512x128xf32, #tpu.memory_space<vmem>>, vector<1x512x128xf32>,
    %slice3A_119 = vector.extract_strided_slice %get3A_2 {offsets = [9, 0, 0], sizes = [1, 512, 128], strides = [1, 1, 1]} : vector<20x512x128xf32> to vector<1x512x128xf32>
    %squeeze3A_120 = vector.shape_cast %slice3A_119 : vector<1x512x128xf32> to vector<512x128xf32>
    %slice3A_121 = vector.extract_strided_slice %dot_general3A_22 {offsets = [0, 9, 0], sizes = [512, 1, 128], strides = [1, 1, 1]} : vector<512x20x128xf32> to vector<512x1x128xf32>
    %squeeze3A_122 = vector.shape_cast %slice3A_121 : vector<512x1x128xf32> to vector<512x128xf32>
    %add3A_123 = arith.addf %squeeze3A_120, %squeeze3A_122 : vector<512x128xf32>
    %swap3A_124 = arith.constant 9 : index
    %swap3A_125 = arith.constant 0 : index
    %swap3A_126 = arith.constant 0 : index
    %swap3A_127 = vector.load %arg4[%swap3A_124, %swap3A_125, %swap3A_126] : memref<20x512x128xf32, #tpu.memory_space<vmem>>, vector<1x512x128xf32>
    %swap3A_128 = vector.shape_cast %swap3A_127 : vector<1x512x128xf32> to vector<512x128xf32>
    %swap3A_129 = vector.shape_cast %add3A_123 : vector<512x128xf32> to vector<1x512x128xf32>
    tpu.vector_store %arg4[%swap3A_124, %swap3A_125, %swap3A_126], %swap3A_129 {strides = array<i32>} : memref<20x512x128xf32, #tpu.memory_space<vmem>>, vector<1x512x128xf32>,
    %slice3A_130 = vector.extract_strided_slice %get3A_2 {offsets = [10, 0, 0], sizes = [1, 512, 128], strides = [1, 1, 1]} : vector<20x512x128xf32> to vector<1x512x128xf32>
    %squeeze3A_131 = vector.shape_cast %slice3A_130 : vector<1x512x128xf32> to vector<512x128xf32>
    %slice3A_132 = vector.extract_strided_slice %dot_general3A_22 {offsets = [0, 10, 0], sizes = [512, 1, 128], strides = [1, 1, 1]} : vector<512x20x128xf32> to vector<512x1x128xf32>
    %squeeze3A_133 = vector.shape_cast %slice3A_132 : vector<512x1x128xf32> to vector<512x128xf32>
    %add3A_134 = arith.addf %squeeze3A_131, %squeeze3A_133 : vector<512x128xf32>
    %swap3A_135 = arith.constant 10 : index
    %swap3A_136 = arith.constant 0 : index
    %swap3A_137 = arith.constant 0 : index
    %swap3A_138 = vector.load %arg4[%swap3A_135, %swap3A_136, %swap3A_137] : memref<20x512x128xf32, #tpu.memory_space<vmem>>, vector<1x512x128xf32>
    %swap3A_139 = vector.shape_cast %swap3A_138 : vector<1x512x128xf32> to vector<512x128xf32>
    %swap3A_140 = vector.shape_cast %add3A_134 : vector<512x128xf32> to vector<1x512x128xf32>
    tpu.vector_store %arg4[%swap3A_135, %swap3A_136, %swap3A_137], %swap3A_140 {strides = array<i32>} : memref<20x512x128xf32, #tpu.memory_space<vmem>>, vector<1x512x128xf32>,
    %slice3A_141 = vector.extract_strided_slice %get3A_2 {offsets = [11, 0, 0], sizes = [1, 512, 128], strides = [1, 1, 1]} : vector<20x512x128xf32> to vector<1x512x128xf32>
    %squeeze3A_142 = vector.shape_cast %slice3A_141 : vector<1x512x128xf32> to vector<512x128xf32>
    %slice3A_143 = vector.extract_strided_slice %dot_general3A_22 {offsets = [0, 11, 0], sizes = [512, 1, 128], strides = [1, 1, 1]} : vector<512x20x128xf32> to vector<512x1x128xf32>
    %squeeze3A_144 = vector.shape_cast %slice3A_143 : vector<512x1x128xf32> to vector<512x128xf32>
    %add3A_145 = arith.addf %squeeze3A_142, %squeeze3A_144 : vector<512x128xf32>
    %swap3A_146 = arith.constant 11 : index
    %swap3A_147 = arith.constant 0 : index
    %swap3A_148 = arith.constant 0 : index
    %swap3A_149 = vector.load %arg4[%swap3A_146, %swap3A_147, %swap3A_148] : memref<20x512x128xf32, #tpu.memory_space<vmem>>, vector<1x512x128xf32>
    %swap3A_150 = vector.shape_cast %swap3A_149 : vector<1x512x128xf32> to vector<512x128xf32>
    %swap3A_151 = vector.shape_cast %add3A_145 : vector<512x128xf32> to vector<1x512x128xf32>
    tpu.vector_store %arg4[%swap3A_146, %swap3A_147, %swap3A_148], %swap3A_151 {strides = array<i32>} : memref<20x512x128xf32, #tpu.memory_space<vmem>>, vector<1x512x128xf32>,
    %slice3A_152 = vector.extract_strided_slice %get3A_2 {offsets = [12, 0, 0], sizes = [1, 512, 128], strides = [1, 1, 1]} : vector<20x512x128xf32> to vector<1x512x128xf32>
    %squeeze3A_153 = vector.shape_cast %slice3A_152 : vector<1x512x128xf32> to vector<512x128xf32>
    %slice3A_154 = vector.extract_strided_slice %dot_general3A_22 {offsets = [0, 12, 0], sizes = [512, 1, 128], strides = [1, 1, 1]} : vector<512x20x128xf32> to vector<512x1x128xf32>
    %squeeze3A_155 = vector.shape_cast %slice3A_154 : vector<512x1x128xf32> to vector<512x128xf32>
    %add3A_156 = arith.addf %squeeze3A_153, %squeeze3A_155 : vector<512x128xf32>
    %swap3A_157 = arith.constant 12 : index
    %swap3A_158 = arith.constant 0 : index
    %swap3A_159 = arith.constant 0 : index
    %swap3A_160 = vector.load %arg4[%swap3A_157, %swap3A_158, %swap3A_159] : memref<20x512x128xf32, #tpu.memory_space<vmem>>, vector<1x512x128xf32>
    %swap3A_161 = vector.shape_cast %swap3A_160 : vector<1x512x128xf32> to vector<512x128xf32>
    %swap3A_162 = vector.shape_cast %add3A_156 : vector<512x128xf32> to vector<1x512x128xf32>
    tpu.vector_store %arg4[%swap3A_157, %swap3A_158, %swap3A_159], %swap3A_162 {strides = array<i32>} : memref<20x512x128xf32, #tpu.memory_space<vmem>>, vector<1x512x128xf32>,
    %slice3A_163 = vector.extract_strided_slice %get3A_2 {offsets = [13, 0, 0], sizes = [1, 512, 128], strides = [1, 1, 1]} : vector<20x512x128xf32> to vector<1x512x128xf32>
    %squeeze3A_164 = vector.shape_cast %slice3A_163 : vector<1x512x128xf32> to vector<512x128xf32>
    %slice3A_165 = vector.extract_strided_slice %dot_general3A_22 {offsets = [0, 13, 0], sizes = [512, 1, 128], strides = [1, 1, 1]} : vector<512x20x128xf32> to vector<512x1x128xf32>
    %squeeze3A_166 = vector.shape_cast %slice3A_165 : vector<512x1x128xf32> to vector<512x128xf32>
    %add3A_167 = arith.addf %squeeze3A_164, %squeeze3A_166 : vector<512x128xf32>
    %swap3A_168 = arith.constant 13 : index
    %swap3A_169 = arith.constant 0 : index
    %swap3A_170 = arith.constant 0 : index
    %swap3A_171 = vector.load %arg4[%swap3A_168, %swap3A_169, %swap3A_170] : memref<20x512x128xf32, #tpu.memory_space<vmem>>, vector<1x512x128xf32>
    %swap3A_172 = vector.shape_cast %swap3A_171 : vector<1x512x128xf32> to vector<512x128xf32>
    %swap3A_173 = vector.shape_cast %add3A_167 : vector<512x128xf32> to vector<1x512x128xf32>
    tpu.vector_store %arg4[%swap3A_168, %swap3A_169, %swap3A_170], %swap3A_173 {strides = array<i32>} : memref<20x512x128xf32, #tpu.memory_space<vmem>>, vector<1x512x128xf32>,
    %slice3A_174 = vector.extract_strided_slice %get3A_2 {offsets = [14, 0, 0], sizes = [1, 512, 128], strides = [1, 1, 1]} : vector<20x512x128xf32> to vector<1x512x128xf32>
    %squeeze3A_175 = vector.shape_cast %slice3A_174 : vector<1x512x128xf32> to vector<512x128xf32>
    %slice3A_176 = vector.extract_strided_slice %dot_general3A_22 {offsets = [0, 14, 0], sizes = [512, 1, 128], strides = [1, 1, 1]} : vector<512x20x128xf32> to vector<512x1x128xf32>
    %squeeze3A_177 = vector.shape_cast %slice3A_176 : vector<512x1x128xf32> to vector<512x128xf32>
    %add3A_178 = arith.addf %squeeze3A_175, %squeeze3A_177 : vector<512x128xf32>
    %swap3A_179 = arith.constant 14 : index
    %swap3A_180 = arith.constant 0 : index
    %swap3A_181 = arith.constant 0 : index
    %swap3A_182 = vector.load %arg4[%swap3A_179, %swap3A_180, %swap3A_181] : memref<20x512x128xf32, #tpu.memory_space<vmem>>, vector<1x512x128xf32>
    %swap3A_183 = vector.shape_cast %swap3A_182 : vector<1x512x128xf32> to vector<512x128xf32>
    %swap3A_184 = vector.shape_cast %add3A_178 : vector<512x128xf32> to vector<1x512x128xf32>
    tpu.vector_store %arg4[%swap3A_179, %swap3A_180, %swap3A_181], %swap3A_184 {strides = array<i32>} : memref<20x512x128xf32, #tpu.memory_space<vmem>>, vector<1x512x128xf32>,
    %slice3A_185 = vector.extract_strided_slice %get3A_2 {offsets = [15, 0, 0], sizes = [1, 512, 128], strides = [1, 1, 1]} : vector<20x512x128xf32> to vector<1x512x128xf32>
    %squeeze3A_186 = vector.shape_cast %slice3A_185 : vector<1x512x128xf32> to vector<512x128xf32>
    %slice3A_187 = vector.extract_strided_slice %dot_general3A_22 {offsets = [0, 15, 0], sizes = [512, 1, 128], strides = [1, 1, 1]} : vector<512x20x128xf32> to vector<512x1x128xf32>
    %squeeze3A_188 = vector.shape_cast %slice3A_187 : vector<512x1x128xf32> to vector<512x128xf32>
    %add3A_189 = arith.addf %squeeze3A_186, %squeeze3A_188 : vector<512x128xf32>
    %swap3A_190 = arith.constant 15 : index
    %swap3A_191 = arith.constant 0 : index
    %swap3A_192 = arith.constant 0 : index
    %swap3A_193 = vector.load %arg4[%swap3A_190, %swap3A_191, %swap3A_192] : memref<20x512x128xf32, #tpu.memory_space<vmem>>, vector<1x512x128xf32>
    %swap3A_194 = vector.shape_cast %swap3A_193 : vector<1x512x128xf32> to vector<512x128xf32>
    %swap3A_195 = vector.shape_cast %add3A_189 : vector<512x128xf32> to vector<1x512x128xf32>
    tpu.vector_store %arg4[%swap3A_190, %swap3A_191, %swap3A_192], %swap3A_195 {strides = array<i32>} : memref<20x512x128xf32, #tpu.memory_space<vmem>>, vector<1x512x128xf32>,
    %slice3A_196 = vector.extract_strided_slice %get3A_2 {offsets = [16, 0, 0], sizes = [1, 512, 128], strides = [1, 1, 1]} : vector<20x512x128xf32> to vector<1x512x128xf32>
    %squeeze3A_197 = vector.shape_cast %slice3A_196 : vector<1x512x128xf32> to vector<512x128xf32>
    %slice3A_198 = vector.extract_strided_slice %dot_general3A_22 {offsets = [0, 16, 0], sizes = [512, 1, 128], strides = [1, 1, 1]} : vector<512x20x128xf32> to vector<512x1x128xf32>
    %squeeze3A_199 = vector.shape_cast %slice3A_198 : vector<512x1x128xf32> to vector<512x128xf32>
    %add3A_200 = arith.addf %squeeze3A_197, %squeeze3A_199 : vector<512x128xf32>
    %swap3A_201 = arith.constant 16 : index
    %swap3A_202 = arith.constant 0 : index
    %swap3A_203 = arith.constant 0 : index
    %swap3A_204 = vector.load %arg4[%swap3A_201, %swap3A_202, %swap3A_203] : memref<20x512x128xf32, #tpu.memory_space<vmem>>, vector<1x512x128xf32>
    %swap3A_205 = vector.shape_cast %swap3A_204 : vector<1x512x128xf32> to vector<512x128xf32>
    %swap3A_206 = vector.shape_cast %add3A_200 : vector<512x128xf32> to vector<1x512x128xf32>
    tpu.vector_store %arg4[%swap3A_201, %swap3A_202, %swap3A_203], %swap3A_206 {strides = array<i32>} : memref<20x512x128xf32, #tpu.memory_space<vmem>>, vector<1x512x128xf32>,
    %slice3A_207 = vector.extract_strided_slice %get3A_2 {offsets = [17, 0, 0], sizes = [1, 512, 128], strides = [1, 1, 1]} : vector<20x512x128xf32> to vector<1x512x128xf32>
    %squeeze3A_208 = vector.shape_cast %slice3A_207 : vector<1x512x128xf32> to vector<512x128xf32>
    %slice3A_209 = vector.extract_strided_slice %dot_general3A_22 {offsets = [0, 17, 0], sizes = [512, 1, 128], strides = [1, 1, 1]} : vector<512x20x128xf32> to vector<512x1x128xf32>
    %squeeze3A_210 = vector.shape_cast %slice3A_209 : vector<512x1x128xf32> to vector<512x128xf32>
    %add3A_211 = arith.addf %squeeze3A_208, %squeeze3A_210 : vector<512x128xf32>
    %swap3A_212 = arith.constant 17 : index
    %swap3A_213 = arith.constant 0 : index
    %swap3A_214 = arith.constant 0 : index
    %swap3A_215 = vector.load %arg4[%swap3A_212, %swap3A_213, %swap3A_214] : memref<20x512x128xf32, #tpu.memory_space<vmem>>, vector<1x512x128xf32>
    %swap3A_216 = vector.shape_cast %swap3A_215 : vector<1x512x128xf32> to vector<512x128xf32>
    %swap3A_217 = vector.shape_cast %add3A_211 : vector<512x128xf32> to vector<1x512x128xf32>
    tpu.vector_store %arg4[%swap3A_212, %swap3A_213, %swap3A_214], %swap3A_217 {strides = array<i32>} : memref<20x512x128xf32, #tpu.memory_space<vmem>>, vector<1x512x128xf32>,
    %slice3A_218 = vector.extract_strided_slice %get3A_2 {offsets = [18, 0, 0], sizes = [1, 512, 128], strides = [1, 1, 1]} : vector<20x512x128xf32> to vector<1x512x128xf32>
    %squeeze3A_219 = vector.shape_cast %slice3A_218 : vector<1x512x128xf32> to vector<512x128xf32>
    %slice3A_220 = vector.extract_strided_slice %dot_general3A_22 {offsets = [0, 18, 0], sizes = [512, 1, 128], strides = [1, 1, 1]} : vector<512x20x128xf32> to vector<512x1x128xf32>
    %squeeze3A_221 = vector.shape_cast %slice3A_220 : vector<512x1x128xf32> to vector<512x128xf32>
    %add3A_222 = arith.addf %squeeze3A_219, %squeeze3A_221 : vector<512x128xf32>
    %swap3A_223 = arith.constant 18 : index
    %swap3A_224 = arith.constant 0 : index
    %swap3A_225 = arith.constant 0 : index
    %swap3A_226 = vector.load %arg4[%swap3A_223, %swap3A_224, %swap3A_225] : memref<20x512x128xf32, #tpu.memory_space<vmem>>, vector<1x512x128xf32>
    %swap3A_227 = vector.shape_cast %swap3A_226 : vector<1x512x128xf32> to vector<512x128xf32>
    %swap3A_228 = vector.shape_cast %add3A_222 : vector<512x128xf32> to vector<1x512x128xf32>
    tpu.vector_store %arg4[%swap3A_223, %swap3A_224, %swap3A_225], %swap3A_228 {strides = array<i32>} : memref<20x512x128xf32, #tpu.memory_space<vmem>>, vector<1x512x128xf32>,
    %slice3A_229 = vector.extract_strided_slice %get3A_2 {offsets = [19, 0, 0], sizes = [1, 512, 128], strides = [1, 1, 1]} : vector<20x512x128xf32> to vector<1x512x128xf32>
    %squeeze3A_230 = vector.shape_cast %slice3A_229 : vector<1x512x128xf32> to vector<512x128xf32>
    %slice3A_231 = vector.extract_strided_slice %dot_general3A_22 {offsets = [0, 19, 0], sizes = [512, 1, 128], strides = [1, 1, 1]} : vector<512x20x128xf32> to vector<512x1x128xf32>
    %squeeze3A_232 = vector.shape_cast %slice3A_231 : vector<512x1x128xf32> to vector<512x128xf32>
    %add3A_233 = arith.addf %squeeze3A_230, %squeeze3A_232 : vector<512x128xf32>
    %swap3A_234 = arith.constant 19 : index
    %swap3A_235 = arith.constant 0 : index
    %swap3A_236 = arith.constant 0 : index
    %swap3A_237 = vector.load %arg4[%swap3A_234, %swap3A_235, %swap3A_236] : memref<20x512x128xf32, #tpu.memory_space<vmem>>, vector<1x512x128xf32>
    %swap3A_238 = vector.shape_cast %swap3A_237 : vector<1x512x128xf32> to vector<512x128xf32>
    %swap3A_239 = vector.shape_cast %add3A_233 : vector<512x128xf32> to vector<1x512x128xf32>
    tpu.vector_store %arg4[%swap3A_234, %swap3A_235, %swap3A_236], %swap3A_239 {strides = array<i32>} : memref<20x512x128xf32, #tpu.memory_space<vmem>>, vector<1x512x128xf32>,
    return
  }
  func.func @transform_0(%arg0: i32) -> (i32, i32, i32) {
    %c0_i32 = arith.constant 0 : i32
    %c0_i32_0 = arith.constant 0 : i32
    %c0_i32_1 = arith.constant 0 : i32
    return %c0_i32, %arg0, %c0_i32_0 : i32, i32, i32
  }
  func.func @transform_1(%arg0: i32) -> (i32, i32) {
    %c0_i32 = arith.constant 0 : i32
    %c0_i32_0 = arith.constant 0 : i32
    return %arg0, %c0_i32 : i32, i32
  }
  func.func @transform_2(%arg0: i32) -> (i32, i32) {
    %c0_i32 = arith.constant 0 : i32
    %c0_i32_0 = arith.constant 0 : i32
    %c0_i32_1 = arith.constant 0 : i32
    return %c0_i32, %c0_i32_0 : i32, i32
  }
  func.func @transform_3(%arg0: i32) -> (i32, i32, i32) {
    %c0_i32 = arith.constant 0 : i32
    %c0_i32_0 = arith.constant 0 : i32
    %c0_i32_1 = arith.constant 0 : i32
    return %c0_i32, %arg0, %c0_i32_0 : i32, i32, i32
  }
}

</mosaic_0001>

<sc_bundles>
// kernel: kernel.4.cloned.1.call-start
scs
__scs_entry_jumppad:
0x0: {  	(pc) =	sbr.rel $0x88, $3  }
0x1: {  	(tag) =	ssettag $0x0;
	lr =	simm.s32 $0x1  }
0x2: {  	[smem:$0x3F9D] =	sst lr;
	_ =	strace $0xD0000000  }
0x3: {  	_ = 	snop  }
0x4: {  	_ = 	snop  }
0x5: {  	_ = 	snop  }
0x6: {  	_ = 	snop  }
0x7: {  	_ = 	snop  }
__scs_overlays_trampoline_lowered:
0x8: {  	[smem:$0x3FAC] =	sst s0  }
0x9: {  	[smem:$0x3FAD] =	sst s1  }
0xa: {  	[smem:$0x3FAE] =	sst s2  }
0xb: {  	[smem:$0x3FAF] =	sst s3  }
0xc: {  	[smem:$0x3FB0] =	sst s4  }
0xd: {  	[smem:$0x3FB1] =	sst s5  }
0xe: {  	[smem:$0x3FB2] =	sst s6  }
0xf: {  	[smem:$0x3FB3] =	sst s7  }
0x10: {  	[smem:$0x3FB4] =	sst s8  }
0x11: {  	[smem:$0x3FB5] =	sst s9;
	s0 =	simm.s32 @!p0 $0x0  }
0x12: {  	s1 =	sld [smem:$0x3F9B];
	s0 =	simm.s32 @p0 $0x1  }
0x13: {  	[smem:$0x3FB6] =	sst s0;
	s0 =	simm.s32 @!p1 $0x0  }
0x14: {  	s2 =	sld [smem:$0x3F9A];
	s0 =	simm.s32 @p1 $0x1  }
0x15: {  	[smem:$0x3FB7] =	sst s0;
	s0 =	simm.s32 @!p2 $0x0  }
0x16: {  	s3 =	sld [smem:$0x3FDB];
	s0 =	simm.s32 @p2 $0x1  }
0x17: {  	s4 =	simm.s32 $0x1BF5;
	[smem:$0x3FB9] =	sst s0  }
0x18: {  	s0 =	sld [smem:$0x3F9C];
	_ =	swait.ge [sflag:s4], $0x0  }
0x19: {  	s7 =	sld [smem:$0x3F9D]  }
0x1a: {  	s8 =	sadd.s32 $0xFFFFE003, lr  }
0x1b: {  	s9 =	sadd.s32 $0xFFFFFEF7, lr;
	s5 =	simm.s32 $0xFFFFFFFF;
	p2 =	slt.u32 s8, $0xFFFFF086  }
0x1c: {  	p1 =	slt.u32 s9, $0xF7A;
	s5 =	simm.s32 @!p2 $0x0  }
0x1d: {  	s5 =	simm.s32 @p1 $0x1;
	p0 =	seq.s32 s7, s2  }
0x1e: {  	s7 =	smul.u32 @!p0 $0xF7A, s2;
	p2 =	seq.s32 @!p0 s5, $0x0  }
0x1f: {  	s9 =	smul.u32 $0xF7A, s1;
	s8 =	simm.s32 @!p0 $0x1BF5;
	p2 =	por !p2, p0  }
0x20: {  	[sflag:s8] =	ssyncset.s32 @!p0 $0xFFFFF086;
	s6 =	sadd.s32 @!p0 s3, s7;
	s7 =	simm.s32 @!p0 $0x108  }
0x21: {  	s3 =	sadd.s32 s3, s9;
	s6 =	sadd.s32 @!p0 $0x88, s6;
	s7 =	simm.s32 @p2 $0x1082  }
0x22: {  	[simem:s7], [sflag:s8] =	dma.local @!p0 [hbm:s6], $0xF7A  }
0x23: {  	s9 =	sor.u32 $0xD0000000, s2;
	s6 =	simm.s32 $0x108;
	_ =	swait.ge @!p0 [sflag:s8], $0x0  }
0x24: {  	s3 =	sadd.s32 $0x88, s3;
	s6 =	simm.s32 @!p1 $0x1082;
	[sflag:s4] =	ssyncset.s32 $0xFFFFF086  }
0x25: {  	[simem:s6], [sflag:s4] =	dma.local [hbm:s3], $0xF7A  }
0x26: {  	[smem:$0x3F9D] =	sst s1;
	(tag) =	ssettag s2;
	_ =	strace s9  }
0x27: {  	s1 =	sld [smem:$0x3FAD]  }
0x28: {  	s2 =	sld [smem:$0x3FAE]  }
0x29: {  	s4 =	sld [smem:$0x3FB0]  }
0x2a: {  	p0 =	seq.s32 s5, $0x0;
	s5 =	sld [smem:$0x3FB1]  }
0x2b: {  	s6 =	sld [smem:$0x3FB2]  }
0x2c: {  	s7 =	sld [smem:$0x3FB3]  }
0x2d: {  	s3 =	simm.s32 $0x108;
	s8 =	sld [smem:$0x3FB4]  }
0x2e: {  	s3 =	simm.s32 @!p0 $0x1082;
	s9 =	sld [smem:$0x3FB5]  }
0x2f: {  	lr =	sadd.s32 s0, s3;
	s0 =	sld [smem:$0x3FAC]  }
0x30: {  	s3 =	sld [smem:$0x3FAF]  }
0x31: {  	[smem:$0x3FB8] =	sst s10  }
0x32: {  	s10 =	sld [smem:$0x3FB6];
	_ =	sdelay $0x3  }
0x33: {  	p0 =	seq.s32 s10, $0x1;
	s10 =	sld [smem:$0x3FB8];
	_ =	sdelay $0x3  }
0x34: {  	[smem:$0x3FB8] =	sst s10  }
0x35: {  	s10 =	sld [smem:$0x3FB7];
	_ =	sdelay $0x3  }
0x36: {  	p1 =	seq.s32 s10, $0x1;
	s10 =	sld [smem:$0x3FB8];
	_ =	sdelay $0x3  }
0x37: {  	[smem:$0x3FB8] =	sst s10  }
0x38: {  	s10 =	sld [smem:$0x3FB9]  }
0x39: {  	_ = 	snop;
	(pc) =	sbr.ind lr, $3  }
0x3a: {  	_ = 	snop  }
0x3b: {  	_ = 	snop  }
0x3c: {  	p2 =	seq.s32 s10, $0x1;
	s10 =	sld [smem:$0x3FB8]  }
0x3d: {  	_ =	shalt  }
0x3e: {  	_ =	shalt  }
0x3f: {  	_ =	shalt  }
0x40: {  	_ =	shalt  }
0x41: {  	_ =	shalt  }
0x42: {  	_ =	shalt  }
0x43: {  	_ =	shalt  }
0x44: {  	_ =	shalt  }
0x45: {  	_ =	shalt  }
0x46: {  	_ =	shalt  }
0x47: {  	_ =	shalt  }
0x48: {  	_ =	shalt  }
0x49: {  	_ =	shalt  }
0x4a: {  	_ =	shalt  }
0x4b: {  	_ =	shalt  }
0x4c: {  	_ =	shalt  }
0x4d: {  	_ =	shalt  }
0x4e: {  	_ =	shalt  }
0x4f: {  	_ =	shalt  }
0x50: {  	_ =	shalt  }
0x51: {  	_ =	shalt  }
0x52: {  	_ =	shalt  }
0x53: {  	_ =	shalt  }
0x54: {  	_ =	shalt  }
0x55: {  	_ =	shalt  }
0x56: {  	_ =	shalt  }
0x57: {  	_ =	shalt  }
0x58: {  	_ =	shalt  }
0x59: {  	_ =	shalt  }
0x5a: {  	_ =	shalt  }
0x5b: {  	_ =	shalt  }
0x5c: {  	_ =	shalt  }
0x5d: {  	_ =	shalt  }
0x5e: {  	_ =	shalt  }
0x5f: {  	_ =	shalt  }
0x60: {  	_ =	shalt  }
0x61: {  	_ =	shalt  }
0x62: {  	_ =	shalt  }
0x63: {  	_ =	shalt  }
0x64: {  	_ =	shalt  }
0x65: {  	_ =	shalt  }
0x66: {  	_ =	shalt  }
0x67: {  	_ =	shalt  }
0x68: {  	_ =	shalt  }
0x69: {  	_ =	shalt  }
0x6a: {  	_ =	shalt  }
0x6b: {  	_ =	shalt  }
0x6c: {  	_ =	shalt  }
0x6d: {  	_ =	shalt  }
0x6e: {  	_ =	shalt  }
0x6f: {  	_ =	shalt  }
0x70: {  	_ =	shalt  }
0x71: {  	_ =	shalt  }
0x72: {  	_ =	shalt  }
0x73: {  	_ =	shalt  }
0x74: {  	_ =	shalt  }
0x75: {  	_ =	shalt  }
0x76: {  	_ =	shalt  }
0x77: {  	_ =	shalt  }
0x78: {  	_ =	shalt  }
0x79: {  	_ =	shalt  }
0x7a: {  	_ =	shalt  }
0x7b: {  	_ =	shalt  }
0x7c: {  	_ =	shalt  }
0x7d: {  	_ =	shalt  }
0x7e: {  	_ =	shalt  }
0x7f: {  	_ =	shalt  }
0x80: {  	_ =	shalt  }
0x81: {  	_ =	shalt  }
0x82: {  	_ =	shalt  }
0x83: {  	_ =	shalt  }
0x84: {  	_ =	shalt  }
0x85: {  	_ =	shalt  }
0x86: {  	_ =	shalt  }
0x87: {  	_ =	shalt  }
.Lfunc_end0:
.L_simem_size_0:
called_computation_lowered:
.L_overlay_start_0:
0x88: {  	s2 =	sld [smem:$0x3FD9]  }
0x89: {  	s3 =	sld [smem:$0x3FFE];
	_ =	sdelay $0x1  }
0x8a: {  	s1 =	srdreg.scid  }
0x8b: {  	s0 =	sand.u32 $0x1, s1  }
0x8c: {  	s17 =	sshll.u32 s0, $0xA;
	s2 =	sadd.s32 s3, s2  }
0x8d: {  	s2 =	sadd.s32 s2, s17  }
0x8e: {  	[smem:$0x3FC4] =	sst s2  }
0x8f: {  	_ = 	snop  }
0x90: {  	s2 =	sld [smem:$0x3FD0];
	(tm) =	ssettm $0x1  }
0x91: {  	s18 =	sld [smem:$0x3FFB];
	_ =	sdelay $0x3  }
0x92: {  	_ =	strace s18  }
0x93: {  	s3 =	sld [smem:$0x3FFC];
	_ =	sdelay $0x3  }
0x94: {  	_ =	strace s3  }
0x95: {  	s3 =	sld [smem:$0x3FFD];
	_ =	sdelay $0x3  }
0x96: {  	_ =	strace s3  }
0x97: {  	_ =	strace $0x8FFFFFFF  }
0x98: {  	s19 =	sld [smem:$0x3FDB];
	_ =	sdelay $0x1  }
0x99: {  	s4 =	simm.s32 $_scs_section_size  }
0x9a: {  	s5 =	simm.s32 $_size__tile_overlayer_lowered;
	s6 =	simm.s32 $_tile_overlayer_lowered  }
0x9b: {  	s22 =	simm.s32 $0x1BFF;
	s21 =	sshll.u32 s6, $0x1;
	s3 =	sadd.s32 s4, s19  }
0x9c: {  	s7 =	simm.s32 $0x0;
	s20 =	sshll.u32 s5, $0x1;
	s5 =	sadd.s32 s21, s3  }
0x9d: {  	[timem:s7], [sflag:s22] =	dma.local [hbm:s5], s20  }
0x9e: {  	_ =	swait.ge [sflag:s22], s20  }
0x9f: {  	s4 =	ssub.s32 $0x0, s20;
	[sflag:s22] =	ssyncset.done $0x0  }
0xa0: {  	[sflag:s22] =	ssyncadd.s32 s4;
	_ =	sdelay $0x1  }
0xa1: {  	s23 =	simm.s32 $0x1B8B  }
0xa2: {  	_ =	swait.ge [sflag:s23], $0x1  }
0xa3: {  	[sflag:s23] =	ssyncset.done $0x0  }
0xa4: {  	s25 =	simm.s32 $0x1B8E;
	s24 =	sld [smem:$0x3FFE];
	[sflag:s23] =	ssyncadd.s32 $0xFFFFFFFF  }
0xa5: {  	s26 =	simm.s32 $execute0_lowered;
	[smem:$0x3FD2] =	sst s25  }
0xa6: {  	s5 =	sshll.u32 s26, $0x1;
	_ =	strace $0x80000046;
	[dreg:$0x1] =	wrdreg $0xFFFFFFFF  }
0xa7: {  	s28 =	simm.s32 $_size_execute0_lowered;
	s3 =	sadd.s32 s3, s5;
	[dreg:$0x0] =	wrdreg $0x0  }
0xa8: {  	s5 =	sshll.u32 s28, $0x1;
	[dreg:$0x2] =	wrdreg s3  }
0xa9: {  	[dreg:$0x3] =	wrdreg s5  }
0xaa: {  	[dreg:$0x4] =	wrdreg $0xC0  }
0xab: {  	_ =	task [dreg:s7], $0x5FFFF  }
0xac: {  	[dreg:$0x1] =	wrdreg $0xFFFFFFFF  }
0xad: {  	[dreg:$0x0] =	wrdreg $0x60  }
0xae: {  	[dreg:$0x2] =	wrdreg s24  }
0xaf: {  	[dreg:$0x3] =	wrdreg s2  }
0xb0: {  	[dreg:$0x4] =	wrdreg $0x9  }
0xb1: {  	_ =	task.clear_ibuf [dreg:s7], $0x5FFFF;
	_ =	strace $0x90000046  }
0xb2: {  	s29 =	simm.s32 $0x9;
	_ =	strace $0x80000048  }
0xb3: {  	_ =	swait.ge [sflag:s29], $0x1  }
0xb4: {  	[sflag:s29] =	ssyncadd.s32 $0xFFFFFFFF  }
0xb5: {  	_ =	strace $0x90000048  }
0xb6: {  	_ =	sfence  }
0xb7: {  	s30 =	sld [smem:$0x0];
	_ =	sdelay $0x2  }
0xb8: {  	s31 =	sshll.u32 s1, $0xD;
	s1 =	sshrl.u32 s1, $0x2  }
0xb9: {  	s3 =	sand.u32 $0x4000, s31;
	s1 =	sadd.s32 s1, s30  }
0xba: {  	s0 =	sor.u32 s3, s0;
	s1 =	sshll.u32 s1, $0x11  }
0xbb: {  	s0 =	sor.u32 s1, s0  }
0xbc: {  	s0 =	sadd.s32 $0x8F2B, s0  }
0xbd: {  	[sflag:s0] =	ssyncadd.remote.s32 $0x1  }
0xbe: {  	_ =	sfence.sel $0xFFFF  }
0xbf: {  	[dreg:$0x0] =	wrdreg $0xFFFFFFFF;
	(pc) =	sbr.abs _section_cstart, $3  }
0xc0: {  	[dreg:$0x1] =	wrdreg $0xFFFFFFFF  }
0xc1: {  	_ =	task.clear_ibuf [dreg:s7], $0x2FFFF;
	_ =	strace $0x9FFFFFFF  }
0xc2: {  	(tm) =	ssettm $0x7FFFFFFF  }
0xc3: {  	_ =	shalt  }
tec
execute0_lowered:
.L_overlay_start_1:
0x0: {  	(tag) =	ssettag $0x1  }
0x1: {  	s1 =	srdreg.scid;
	s0 =	stileid.u32  }
0x2: {  	s4 =	rddreg [dreg:$0x0];
	s1 =	sand.u32 $0x1, s1;
	s2 =	sshll.u32 s0, $0x1  }
0x3: {  	s5 =	rddreg [dreg:$0x1];
	s3 =	sor.u32 s1, s2;
	s2 =	simm.s32 $0x0  }
0x4: {  	s7 =	simm.s32 $0x1A00;
	[smem:$0x7FF] =	sst s2  }
0x5: {  	s8 =	simm.s32 $0x180;
	_ =	strace $0x80000047;
	[dreg:$0x7] =	wrdreg s7  }
0x6: {  	s9 =	simm.s32 $0x2200;
	[dreg:$0x8] =	wrdreg s8  }
0x7: {  	s10 =	simm.s32 $0x200;
	[dreg:$0x9] =	wrdreg s9  }
0x8: {  	s11 =	simm.s32 $0x2A00;
	[dreg:$0xa] =	wrdreg s10  }
0x9: {  	s12 =	simm.s32 $0x280;
	[dreg:$0xb] =	wrdreg s11  }
0xa: {  	s13 =	simm.s32 $0x3200;
	[dreg:$0xc] =	wrdreg s12  }
0xb: {  	s14 =	simm.s32 $0x300;
	[dreg:$0xd] =	wrdreg s13  }
0xc: {  	s15 =	simm.s32 $0x3A00;
	[dreg:$0xe] =	wrdreg s14  }
0xd: {  	s16 =	simm.s32 $0x380;
	s6 =	smul.u32 $0x140, s3;
	[dreg:$0xf] =	wrdreg s15  }
0xe: {  	s17 =	simm.s32 $0x4200;
	s3 =	smul.u32 $0x1400, s3;
	[dreg:$0x10] =	wrdreg s16  }
0xf: {  	s19 =	simm.s32 $0x400;
	[dreg:$0x11] =	wrdreg s17  }
0x10: {  	[dreg:$0x12] =	wrdreg s19;
	s3 =	sadd.s32 s5, s3  }
0x11: {  	s6 =	sadd.s32 s6, s4;
	s5 =	simm.s32 $0x1200;
	[dreg:$0x4] =	wrdreg s3  }
0x12: {  	s6 =	sadd.s32 $0xE00, s6;
	[dreg:$0x5] =	wrdreg s5  }
0x13: {  	[dreg:$0x3] =	wrdreg s6;
	s6 =	simm.s32 $0x100  }
0x14: {  	[dreg:$0x6] =	wrdreg s6  }
0x15: {  	s3 =	simm.s32 $0x2;
	s18 =	rddreg [dreg:$0x3]  }
0x16: {  	[tilespmem:s2], [sflag:$0x2] =	stream.linear.gather [hbm4b:s18+s2], $0xA00, $0x38;
	[tilespmem:$0xAA00] =	vst v63  }
0x17: {  	_ =	swait.ge [sflag:s3], $0xA00  }
0x18: {  	s7 =	rddreg [dreg:$0x11]  }
0x19: {  	s8 =	rddreg [dreg:$0xf]  }
0x1a: {  	s9 =	rddreg [dreg:$0xd]  }
0x1b: {  	s4 =	sadd.s32 $0x600, s4;
	s10 =	rddreg [dreg:$0xb]  }
0x1c: {  	s5 =	simm.s32 $0xA00;
	s11 =	rddreg [dreg:$0x6];
	[sflag:s3] =	ssyncset.done $0x0  }
0x1d: {  	s6 =	simm.s32 $0x80;
	s12 =	rddreg [dreg:$0x5];
	[sflag:s3] =	ssyncadd.s32 $0xFFFFF600  }
0x1e: {  	[tilespmem:s5], [sflag:$0x1] =	stream.indirect.gather [hbm4b:s4+s6], $0x10, s2, s6, $0xb8;
	[tilespmem:$0xAA00] =	vst v63  }
0x1f: {  	s13 =	rddreg [dreg:$0x7]  }
0x20: {  	[tilespmem:s12], [sflag:$0x1] =	stream.indirect.gather [hbm4b:s4+s6], $0x10, s6, s6, $0xb8;
	[tilespmem:$0xAA00] =	vst v63  }
0x21: {  	s14 =	rddreg [dreg:$0x9]  }
0x22: {  	[tilespmem:s13], [sflag:$0x1] =	stream.indirect.gather [hbm4b:s4+s6], $0x10, s11, s6, $0xb8;
	[tilespmem:$0xAA00] =	vst v63  }
0x23: {  	s20 =	rddreg [dreg:$0x8]  }
0x24: {  	[tilespmem:s14], [sflag:$0x1] =	stream.indirect.gather [hbm4b:s4+s6], $0x10, s20, s6, $0xb8;
	[tilespmem:$0xAA00] =	vst v63  }
0x25: {  	s21 =	rddreg [dreg:$0xa]  }
0x26: {  	[tilespmem:s10], [sflag:$0x1] =	stream.indirect.gather [hbm4b:s4+s6], $0x10, s21, s6, $0xb8;
	[tilespmem:$0xAA00] =	vst v63  }
0x27: {  	s22 =	rddreg [dreg:$0xc]  }
0x28: {  	[tilespmem:s9], [sflag:$0x1] =	stream.indirect.gather [hbm4b:s4+s6], $0x10, s22, s6, $0xb8;
	[tilespmem:$0xAA00] =	vst v63  }
0x29: {  	s23 =	rddreg [dreg:$0xe]  }
0x2a: {  	[tilespmem:s8], [sflag:$0x1] =	stream.indirect.gather [hbm4b:s4+s6], $0x10, s23, s6, $0xb8;
	[tilespmem:$0xAA00] =	vst v63  }
0x2b: {  	s24 =	rddreg [dreg:$0x10]  }
0x2c: {  	[tilespmem:s7], [sflag:$0x1] =	stream.indirect.gather [hbm4b:s4+s6], $0x10, s24, s6, $0xb8;
	[tilespmem:$0xAA00] =	vst v63  }
0x2d: {  	s26 =	simm.s32 $0x4A00;
	s25 =	rddreg [dreg:$0x12]  }
0x2e: {  	[tilespmem:s26], [sflag:$0x1] =	stream.indirect.gather [hbm4b:s4+s6], $0x10, s25, s6, $0xb8;
	[tilespmem:$0xAA00] =	vst v63  }
0x2f: {  	s8 =	simm.s32 $0x5200;
	s7 =	simm.s32 $0x480  }
0x30: {  	[tilespmem:s8], [sflag:$0x1] =	stream.indirect.gather [hbm4b:s4+s6], $0x10, s7, s6, $0xb8;
	[tilespmem:$0xAA00] =	vst v63  }
0x31: {  	s10 =	simm.s32 $0x5A00;
	s9 =	simm.s32 $0x500  }
0x32: {  	[tilespmem:s10], [sflag:$0x1] =	stream.indirect.gather [hbm4b:s4+s6], $0x10, s9, s6, $0xb8;
	[tilespmem:$0xAA00] =	vst v63  }
0x33: {  	s12 =	simm.s32 $0x6200;
	s11 =	simm.s32 $0x580  }
0x34: {  	[tilespmem:s12], [sflag:$0x1] =	stream.indirect.gather [hbm4b:s4+s6], $0x10, s11, s6, $0xb8;
	[tilespmem:$0xAA00] =	vst v63  }
0x35: {  	s15 =	simm.s32 $0x6A00;
	s14 =	simm.s32 $0x600  }
0x36: {  	[tilespmem:s15], [sflag:$0x1] =	stream.indirect.gather [hbm4b:s4+s6], $0x10, s14, s6, $0xb8;
	[tilespmem:$0xAA00] =	vst v63  }
0x37: {  	s16 =	simm.s32 $0x680;
	s17 =	simm.s32 $0x7200  }
0x38: {  	[tilespmem:s17], [sflag:$0x1] =	stream.indirect.gather [hbm4b:s4+s6], $0x10, s16, s6, $0xb8;
	[tilespmem:$0xAA00] =	vst v63  }
0x39: {  	s19 =	simm.s32 $0x7A00;
	s18 =	simm.s32 $0x700  }
0x3a: {  	[tilespmem:s19], [sflag:$0x1] =	stream.indirect.gather [hbm4b:s4+s6], $0x10, s18, s6, $0xb8;
	[tilespmem:$0xAA00] =	vst v63  }
0x3b: {  	s20 =	simm.s32 $0x780;
	s21 =	simm.s32 $0x8200  }
0x3c: {  	[tilespmem:s21], [sflag:$0x1] =	stream.indirect.gather [hbm4b:s4+s6], $0x10, s20, s6, $0xb8;
	[tilespmem:$0xAA00] =	vst v63  }
0x3d: {  	s22 =	simm.s32 $0x800;
	s23 =	simm.s32 $0x8A00  }
0x3e: {  	[tilespmem:s23], [sflag:$0x1] =	stream.indirect.gather [hbm4b:s4+s6], $0x10, s22, s6, $0xb8;
	[tilespmem:$0xAA00] =	vst v63  }
0x3f: {  	s24 =	simm.s32 $0x880;
	s25 =	simm.s32 $0x9200  }
0x40: {  	[tilespmem:s25], [sflag:$0x1] =	stream.indirect.gather [hbm4b:s4+s6], $0x10, s24, s6, $0xb8;
	[tilespmem:$0xAA00] =	vst v63  }
0x41: {  	s28 =	simm.s32 $0x9A00;
	s26 =	simm.s32 $0x900  }
0x42: {  	[tilespmem:s28], [sflag:$0x1] =	stream.indirect.gather [hbm4b:s4+s6], $0x10, s26, s6, $0xb8;
	[tilespmem:$0xAA00] =	vst v63  }
0x43: {  	s30 =	simm.s32 $0x980;
	s31 =	simm.s32 $0xA200;
	s29 =	simm.s32 $0x1  }
0x44: {  	[tilespmem:s31], [sflag:$0x1] =	stream.indirect.gather [hbm4b:s4+s6], $0x10, s30, s6, $0xb8;
	[tilespmem:$0xAA00] =	vst v63  }
0x45: {  	_ =	swait.ge [sflag:s29], $0x800  }
0x46: {  	[sflag:s29] =	ssyncset.done $0x0  }
0x47: {  	[sflag:s29] =	ssyncadd.s32 $0xFFFFF800  }
0x48: {  	_ =	swait.ge [sflag:s29], $0x800  }
0x49: {  	[sflag:s29] =	ssyncset.done $0x0  }
0x4a: {  	[sflag:s29] =	ssyncadd.s32 $0xFFFFF800  }
0x4b: {  	_ =	swait.ge [sflag:s29], $0x800  }
0x4c: {  	[sflag:s29] =	ssyncset.done $0x0  }
0x4d: {  	[sflag:s29] =	ssyncadd.s32 $0xFFFFF800  }
0x4e: {  	_ =	swait.ge [sflag:s29], $0x800  }
0x4f: {  	[sflag:s29] =	ssyncset.done $0x0  }
0x50: {  	[sflag:s29] =	ssyncadd.s32 $0xFFFFF800  }
0x51: {  	_ =	swait.ge [sflag:s29], $0x800  }
0x52: {  	[sflag:s29] =	ssyncset.done $0x0  }
0x53: {  	[sflag:s29] =	ssyncadd.s32 $0xFFFFF800  }
0x54: {  	_ =	swait.ge [sflag:s29], $0x800  }
0x55: {  	[sflag:s29] =	ssyncset.done $0x0  }
0x56: {  	[sflag:s29] =	ssyncadd.s32 $0xFFFFF800  }
0x57: {  	_ =	swait.ge [sflag:s29], $0x800  }
0x58: {  	[sflag:s29] =	ssyncset.done $0x0  }
0x59: {  	[sflag:s29] =	ssyncadd.s32 $0xFFFFF800  }
0x5a: {  	_ =	swait.ge [sflag:s29], $0x800  }
0x5b: {  	[sflag:s29] =	ssyncset.done $0x0  }
0x5c: {  	[sflag:s29] =	ssyncadd.s32 $0xFFFFF800  }
0x5d: {  	_ =	swait.ge [sflag:s29], $0x800  }
0x5e: {  	[sflag:s29] =	ssyncset.done $0x0  }
0x5f: {  	[sflag:s29] =	ssyncadd.s32 $0xFFFFF800  }
0x60: {  	_ =	swait.ge [sflag:s29], $0x800  }
0x61: {  	[sflag:s29] =	ssyncset.done $0x0  }
0x62: {  	[sflag:s29] =	ssyncadd.s32 $0xFFFFF800  }
0x63: {  	_ =	swait.ge [sflag:s29], $0x800  }
0x64: {  	[sflag:s29] =	ssyncset.done $0x0  }
0x65: {  	[sflag:s29] =	ssyncadd.s32 $0xFFFFF800  }
0x66: {  	_ =	swait.ge [sflag:s29], $0x800  }
0x67: {  	[sflag:s29] =	ssyncset.done $0x0  }
0x68: {  	[sflag:s29] =	ssyncadd.s32 $0xFFFFF800  }
0x69: {  	_ =	swait.ge [sflag:s29], $0x800  }
0x6a: {  	[sflag:s29] =	ssyncset.done $0x0  }
0x6b: {  	[sflag:s29] =	ssyncadd.s32 $0xFFFFF800  }
0x6c: {  	_ =	swait.ge [sflag:s29], $0x800  }
0x6d: {  	[sflag:s29] =	ssyncset.done $0x0  }
0x6e: {  	[sflag:s29] =	ssyncadd.s32 $0xFFFFF800  }
0x6f: {  	_ =	swait.ge [sflag:s29], $0x800  }
0x70: {  	[sflag:s29] =	ssyncset.done $0x0  }
0x71: {  	[sflag:s29] =	ssyncadd.s32 $0xFFFFF800  }
0x72: {  	_ =	swait.ge [sflag:s29], $0x800  }
0x73: {  	[sflag:s29] =	ssyncset.done $0x0  }
0x74: {  	[sflag:s29] =	ssyncadd.s32 $0xFFFFF800  }
0x75: {  	s1 =	ssub.s32 $0x2, s1;
	_ =	swait.ge [sflag:s29], $0x800  }
0x76: {  	s13 =	sshrl.u32 s1, $0x1;
	[sflag:s29] =	ssyncset.done $0x0  }
0x77: {  	s0 =	ssub.s32 s1, s13;
	[sflag:s29] =	ssyncadd.s32 $0xFFFFF800  }
0x78: {  	s0 =	smax.u32 s0, $0x1;
	_ =	swait.ge [sflag:s29], $0x800  }
0x79: {  	p0 =	sne.s32 s0, $0x1;
	[sflag:s29] =	ssyncset.done $0x0  }
.Ltmp0:
0x7a: {  	[sflag:s29] =	ssyncadd.s32 $0xFFFFF800;
	(pc) =	sbr.rel @!p0 .LBB2_2-.Ltmp0, $4  }
0x7b: {  	_ =	swait.ge [sflag:s29], $0x800  }
0x7c: {  	[sflag:s29] =	ssyncset.done $0x0  }
0x7d: {  	[sflag:s29] =	ssyncadd.s32 $0xFFFFF800  }
0x7e: {  	s1 =	sadd.s32 $0xFFFFFFFF, s0;
	_ =	swait.ge [sflag:s29], $0x800  }
.LBB2_1:
0x7f: {  	[sflag:s29] =	ssyncset.done $0x0  }
0x80: {  	s0 =	rddreg [dreg:$0x4];
	[sflag:s29] =	ssyncadd.s32 $0xFFFFF800  }
0x81: {  	[hbm4b:s0+s2] =	stream.linear.scatter [tilespmem:s5], [sflag:$0x2], $0xA000, $0x38;
	[tilespmem:$0xAA00] =	vst v63  }
0x82: {  	_ =	swait.ge [sflag:s3], $0xA000  }
0x83: {  	[sflag:s3] =	ssyncset.done $0x0  }
0x84: {  	s11 =	rddreg [dreg:$0x3];
	[sflag:s3] =	ssyncadd.s32 $0xFFFF6000  }
0x85: {  	[tilespmem:s2], [sflag:$0x2] =	stream.linear.gather [hbm4b:s11+s2], $0xA00, $0x38;
	[tilespmem:$0xAA00] =	vst v63  }
0x86: {  	_ =	swait.ge [sflag:s3], $0xA00  }
0x87: {  	s0 =	rddreg [dreg:$0x11]  }
0x88: {  	s7 =	rddreg [dreg:$0xf]  }
0x89: {  	s8 =	rddreg [dreg:$0xd]  }
0x8a: {  	s9 =	rddreg [dreg:$0xb]  }
0x8b: {  	s10 =	rddreg [dreg:$0x6];
	[sflag:s3] =	ssyncset.done $0x0  }
0x8c: {  	s11 =	rddreg [dreg:$0x5];
	[sflag:s3] =	ssyncadd.s32 $0xFFFFF600  }
0x8d: {  	[tilespmem:s5], [sflag:$0x1] =	stream.indirect.gather [hbm4b:s4+s6], $0x10, s2, s6, $0xb8;
	[tilespmem:$0xAA00] =	vst v63  }
0x8e: {  	s12 =	rddreg [dreg:$0x7]  }
0x8f: {  	[tilespmem:s11], [sflag:$0x1] =	stream.indirect.gather [hbm4b:s4+s6], $0x10, s6, s6, $0xb8;
	[tilespmem:$0xAA00] =	vst v63  }
0x90: {  	s13 =	rddreg [dreg:$0x9]  }
0x91: {  	[tilespmem:s12], [sflag:$0x1] =	stream.indirect.gather [hbm4b:s4+s6], $0x10, s10, s6, $0xb8;
	[tilespmem:$0xAA00] =	vst v63  }
0x92: {  	s11 =	rddreg [dreg:$0x8]  }
0x93: {  	[tilespmem:s13], [sflag:$0x1] =	stream.indirect.gather [hbm4b:s4+s6], $0x10, s11, s6, $0xb8;
	[tilespmem:$0xAA00] =	vst v63  }
0x94: {  	s12 =	rddreg [dreg:$0xa]  }
0x95: {  	[tilespmem:s9], [sflag:$0x1] =	stream.indirect.gather [hbm4b:s4+s6], $0x10, s12, s6, $0xb8;
	[tilespmem:$0xAA00] =	vst v63  }
0x96: {  	s13 =	rddreg [dreg:$0xc]  }
0x97: {  	[tilespmem:s8], [sflag:$0x1] =	stream.indirect.gather [hbm4b:s4+s6], $0x10, s13, s6, $0xb8;
	[tilespmem:$0xAA00] =	vst v63  }
0x98: {  	s10 =	rddreg [dreg:$0xe]  }
0x99: {  	[tilespmem:s7], [sflag:$0x1] =	stream.indirect.gather [hbm4b:s4+s6], $0x10, s10, s6, $0xb8;
	[tilespmem:$0xAA00] =	vst v63  }
0x9a: {  	s11 =	rddreg [dreg:$0x10]  }
0x9b: {  	[tilespmem:s0], [sflag:$0x1] =	stream.indirect.gather [hbm4b:s4+s6], $0x10, s11, s6, $0xb8;
	[tilespmem:$0xAA00] =	vst v63  }
0x9c: {  	s12 =	rddreg [dreg:$0x12];
	s13 =	simm.s32 $0x4A00  }
0x9d: {  	[tilespmem:s13], [sflag:$0x1] =	stream.indirect.gather [hbm4b:s4+s6], $0x10, s12, s6, $0xb8;
	[tilespmem:$0xAA00] =	vst v63  }
0x9e: {  	s9 =	simm.s32 $0x5200;
	s8 =	simm.s32 $0x480  }
0x9f: {  	[tilespmem:s9], [sflag:$0x1] =	stream.indirect.gather [hbm4b:s4+s6], $0x10, s8, s6, $0xb8;
	[tilespmem:$0xAA00] =	vst v63  }
0xa0: {  	s10 =	simm.s32 $0x500;
	s11 =	simm.s32 $0x5A00  }
0xa1: {  	[tilespmem:s11], [sflag:$0x1] =	stream.indirect.gather [hbm4b:s4+s6], $0x10, s10, s6, $0xb8;
	[tilespmem:$0xAA00] =	vst v63  }
0xa2: {  	s12 =	simm.s32 $0x580;
	s13 =	simm.s32 $0x6200  }
0xa3: {  	[tilespmem:s13], [sflag:$0x1] =	stream.indirect.gather [hbm4b:s4+s6], $0x10, s12, s6, $0xb8;
	[tilespmem:$0xAA00] =	vst v63  }
0xa4: {  	_ = 	snop  }
0xa5: {  	[tilespmem:s15], [sflag:$0x1] =	stream.indirect.gather [hbm4b:s4+s6], $0x10, s14, s6, $0xb8;
	[tilespmem:$0xAA00] =	vst v63  }
0xa6: {  	_ = 	snop  }
0xa7: {  	[tilespmem:s17], [sflag:$0x1] =	stream.indirect.gather [hbm4b:s4+s6], $0x10, s16, s6, $0xb8;
	[tilespmem:$0xAA00] =	vst v63  }
0xa8: {  	_ = 	snop  }
0xa9: {  	[tilespmem:s19], [sflag:$0x1] =	stream.indirect.gather [hbm4b:s4+s6], $0x10, s18, s6, $0xb8;
	[tilespmem:$0xAA00] =	vst v63  }
0xaa: {  	_ = 	snop  }
0xab: {  	[tilespmem:s21], [sflag:$0x1] =	stream.indirect.gather [hbm4b:s4+s6], $0x10, s20, s6, $0xb8;
	[tilespmem:$0xAA00] =	vst v63  }
0xac: {  	_ = 	snop  }
0xad: {  	[tilespmem:s23], [sflag:$0x1] =	stream.indirect.gather [hbm4b:s4+s6], $0x10, s22, s6, $0xb8;
	[tilespmem:$0xAA00] =	vst v63  }
0xae: {  	_ = 	snop  }
0xaf: {  	[tilespmem:s25], [sflag:$0x1] =	stream.indirect.gather [hbm4b:s4+s6], $0x10, s24, s6, $0xb8;
	[tilespmem:$0xAA00] =	vst v63  }
0xb0: {  	_ = 	snop  }
0xb1: {  	[tilespmem:s28], [sflag:$0x1] =	stream.indirect.gather [hbm4b:s4+s6], $0x10, s26, s6, $0xb8;
	[tilespmem:$0xAA00] =	vst v63  }
0xb2: {  	_ = 	snop  }
0xb3: {  	[tilespmem:s31], [sflag:$0x1] =	stream.indirect.gather [hbm4b:s4+s6], $0x10, s30, s6, $0xb8;
	[tilespmem:$0xAA00] =	vst v63  }
0xb4: {  	_ =	swait.ge [sflag:s29], $0x800  }
0xb5: {  	[sflag:s29] =	ssyncset.done $0x0  }
0xb6: {  	[sflag:s29] =	ssyncadd.s32 $0xFFFFF800  }
0xb7: {  	_ =	swait.ge [sflag:s29], $0x800  }
0xb8: {  	[sflag:s29] =	ssyncset.done $0x0  }
0xb9: {  	[sflag:s29] =	ssyncadd.s32 $0xFFFFF800  }
0xba: {  	_ =	swait.ge [sflag:s29], $0x800  }
0xbb: {  	[sflag:s29] =	ssyncset.done $0x0  }
0xbc: {  	[sflag:s29] =	ssyncadd.s32 $0xFFFFF800  }
0xbd: {  	_ =	swait.ge [sflag:s29], $0x800  }
0xbe: {  	[sflag:s29] =	ssyncset.done $0x0  }
0xbf: {  	[sflag:s29] =	ssyncadd.s32 $0xFFFFF800  }
0xc0: {  	_ =	swait.ge [sflag:s29], $0x800  }
0xc1: {  	[sflag:s29] =	ssyncset.done $0x0  }
0xc2: {  	[sflag:s29] =	ssyncadd.s32 $0xFFFFF800  }
0xc3: {  	_ =	swait.ge [sflag:s29], $0x800  }
0xc4: {  	[sflag:s29] =	ssyncset.done $0x0  }
0xc5: {  	[sflag:s29] =	ssyncadd.s32 $0xFFFFF800  }
0xc6: {  	_ =	swait.ge [sflag:s29], $0x800  }
0xc7: {  	[sflag:s29] =	ssyncset.done $0x0  }
0xc8: {  	[sflag:s29] =	ssyncadd.s32 $0xFFFFF800  }
0xc9: {  	_ =	swait.ge [sflag:s29], $0x800  }
0xca: {  	[sflag:s29] =	ssyncset.done $0x0  }
0xcb: {  	[sflag:s29] =	ssyncadd.s32 $0xFFFFF800  }
0xcc: {  	_ =	swait.ge [sflag:s29], $0x800  }
0xcd: {  	[sflag:s29] =	ssyncset.done $0x0  }
0xce: {  	[sflag:s29] =	ssyncadd.s32 $0xFFFFF800  }
0xcf: {  	_ =	swait.ge [sflag:s29], $0x800  }
0xd0: {  	[sflag:s29] =	ssyncset.done $0x0  }
0xd1: {  	[sflag:s29] =	ssyncadd.s32 $0xFFFFF800  }
0xd2: {  	_ =	swait.ge [sflag:s29], $0x800  }
0xd3: {  	[sflag:s29] =	ssyncset.done $0x0  }
0xd4: {  	[sflag:s29] =	ssyncadd.s32 $0xFFFFF800  }
0xd5: {  	_ =	swait.ge [sflag:s29], $0x800  }
0xd6: {  	[sflag:s29] =	ssyncset.done $0x0  }
0xd7: {  	[sflag:s29] =	ssyncadd.s32 $0xFFFFF800  }
0xd8: {  	_ =	swait.ge [sflag:s29], $0x800  }
0xd9: {  	[sflag:s29] =	ssyncset.done $0x0  }
0xda: {  	[sflag:s29] =	ssyncadd.s32 $0xFFFFF800  }
0xdb: {  	_ =	swait.ge [sflag:s29], $0x800  }
0xdc: {  	[sflag:s29] =	ssyncset.done $0x0  }
0xdd: {  	[sflag:s29] =	ssyncadd.s32 $0xFFFFF800  }
0xde: {  	_ =	swait.ge [sflag:s29], $0x800  }
0xdf: {  	[sflag:s29] =	ssyncset.done $0x0  }
0xe0: {  	[sflag:s29] =	ssyncadd.s32 $0xFFFFF800  }
0xe1: {  	_ =	swait.ge [sflag:s29], $0x800  }
0xe2: {  	[sflag:s29] =	ssyncset.done $0x0  }
0xe3: {  	[sflag:s29] =	ssyncadd.s32 $0xFFFFF800  }
0xe4: {  	_ =	swait.ge [sflag:s29], $0x800  }
0xe5: {  	[sflag:s29] =	ssyncset.done $0x0  }
0xe6: {  	[sflag:s29] =	ssyncadd.s32 $0xFFFFF800  }
0xe7: {  	_ =	swait.ge [sflag:s29], $0x800  }
0xe8: {  	p0 =	sne.s32 s1, $0x1;
	[sflag:s29] =	ssyncset.done $0x0  }
.Ltmp1:
0xe9: {  	[sflag:s29] =	ssyncadd.s32 $0xFFFFF800;
	(pc) =	sbr.rel @p0 .LBB2_1-.Ltmp1, $4  }
0xea: {  	_ =	swait.ge [sflag:s29], $0x800  }
0xeb: {  	[sflag:s29] =	ssyncset.done $0x0  }
0xec: {  	[sflag:s29] =	ssyncadd.s32 $0xFFFFF800  }
0xed: {  	s1 =	sadd.s32 $0xFFFFFFFF, s1;
	_ =	swait.ge [sflag:s29], $0x800  }
.LBB2_2:
0xee: {  	[sflag:s29] =	ssyncset.done $0x0  }
0xef: {  	s0 =	rddreg [dreg:$0x4];
	[sflag:s29] =	ssyncadd.s32 $0xFFFFF800  }
0xf0: {  	[hbm4b:s0+s2] =	stream.linear.scatter [tilespmem:s5], [sflag:$0x2], $0xA000, $0x38;
	[tilespmem:$0xAA00] =	vst v63  }
0xf1: {  	_ =	swait.ge [sflag:s3], $0xA000  }
0xf2: {  	[sflag:s3] =	ssyncset.done $0x0  }
0xf3: {  	[sflag:s3] =	ssyncadd.s32 $0xFFFF6000  }
0xf4: {  	_ =	sfence.sel $0x180000  }
0xf5: {  	[bflag:$0x0] =	sbarrier.arrive $0xFFFF  }
0xf6: {  	_ =	strace $0x90000047  }
0xf7: {  	s31 =	stileid.u32;
	[bflag:$0x2] =	sbarrier.arrive $0xFFFF  }
0xf8: {  	p0 =	sne.s32 s31, $0x0;
	s0 =	rddreg [dreg:$0x2]  }
0xf9: {  	s0 =	sadd.s32 @!p0 $0x100000, s0  }
0xfa: {  	[sflag:s0] =	ssyncadd.tile.s32 @!p0 $0x1;
	_ =	shalt  }
.Lfunc_end2:
_tile_overlayer_lowered:
.L_overlay_start_2:
0xfb: {  	(tag) =	ssettag $0x2  }
0xfc: {  	s0 =	rddreg [dreg:$0x0];
	s2 =	stileid.u32  }
0xfd: {  	s1 =	rddreg [dreg:$0x1];
	p0 =	sne.s32 s2, $0x0  }
0xfe: {  	s3 =	rddreg [dreg:$0x2];
	[bflag:$0x3] =	sbarrier.arrive $0xFFFF;
	s2 =	simm.s32 @!p0 $0x1C02  }
0xff: {  	[timem:s3], [sflag:s2] =	dma.local @!p0 [hbm:s0], s1  }
0x100: {  	s0 =	simm.s32 @!p0 $0x2  }
0x101: {  	_ =	swait.ge @!p0 [sflag:s0], s1  }
0x102: {  	s1 =	ssub.s32 @!p0 $0x0, s1;
	[sflag:s0] =	ssyncset.done @!p0 $0x0  }
0x103: {  	[sflag:s0] =	ssyncadd.s32 @!p0 s1  }
0x104: {  	[bflag:$0x3] =	sbarrier.arrive $0xFFFF  }
0x105: {  	_ =	shalt  }

</sc_bundles>
